<compile_context>
chip_gen: v7x
topology: tpu7x:2x2x1
jax: 0.10.2.dev20260603
libtpu: 0.0.44.dev20260713+nightly
codegen_flags: <defaults>
</compile_context>

<pallas_src>
import functools

import jax
import jax.numpy as jnp
from jax import lax
from jax.experimental import pallas as pl
from jax.experimental.pallas import tpu as pltpu
from jax.experimental.pallas import tpu_sc as plsc

N_ROWS = 1_000_000
N_CLS = 64

BLK_ROWS = 8192
N_BLKS = -(-N_ROWS // BLK_ROWS)

SC_NC = 2
SC_NS = 16
SC_L = 16
NW = SC_NC * SC_NS
CHUNK = 31248
COPY_LEN = 31312
N_GROUPS = COPY_LEN // SC_L


def _argmax_body(x_ref, out_ref):
    x = x_ref[...]
    m = jnp.max(x, axis=0, keepdims=True)
    cls = lax.broadcasted_iota(jnp.int32, x.shape, 0)
    out_ref[...] = jnp.min(jnp.where(x == m, cls, N_CLS), axis=0)


_argmax_call = pl.pallas_call(
    _argmax_body,
    grid=(N_BLKS,),
    in_specs=[pl.BlockSpec((N_CLS, BLK_ROWS), lambda i: (0, i))],
    out_specs=pl.BlockSpec((BLK_ROWS,), lambda i: (i,)),
    out_shape=jax.ShapeDtypeStruct((N_ROWS,), jnp.int32),
)


def _sc_hist_body(idx_hbm, out_hbm, idx_v, acc_v, part_v):
    wid = lax.axis_index("s") * SC_NC + lax.axis_index("c")
    base = pl.multiple_of(wid * CHUNK, 8)
    pltpu.sync_copy(idx_hbm.at[pl.ds(base, COPY_LEN)], idx_v)

    zeros16 = jnp.zeros((SC_L,), jnp.float32)
    for i in range(SC_L * N_CLS // SC_L):
        acc_v[pl.ds(i * SC_L, SC_L)] = zeros16

    lane = lax.iota(jnp.int32, SC_L)
    lane_off = lane * N_CLS
    ones16 = jnp.ones((SC_L,), jnp.float32)
    limit = jnp.where(wid == NW - 1, COPY_LEN, CHUNK)

    def body(g, carry):
        offs = g * SC_L
        iv = idx_v[pl.ds(offs, SC_L)]
        mask = (lane + offs) < limit
        plsc.addupdate_scatter(acc_v, [iv + lane_off], ones16, mask=mask)
        return carry

    lax.fori_loop(0, N_GROUPS, body, 0)

    for cg in range(N_CLS // SC_L):
        s = acc_v[pl.ds(cg * SC_L, SC_L)]
        for r in range(1, SC_L):
            s = s + acc_v[pl.ds(r * N_CLS + cg * SC_L, SC_L)]
        part_v[pl.ds(cg * SC_L, SC_L)] = s

    pltpu.sync_copy(part_v, out_hbm.at[wid])


def _sc_hist_call(idx):
    call = functools.partial(
        pl.kernel,
        mesh=plsc.VectorSubcoreMesh(
            core_axis_name="c", subcore_axis_name="s",
            num_cores=SC_NC, num_subcores=SC_NS,
        ),
        out_type=jax.ShapeDtypeStruct((NW, N_CLS), jnp.float32),
        scratch_types=[
            pltpu.VMEM((COPY_LEN,), jnp.int32),
            pltpu.VMEM((SC_L * N_CLS,), jnp.float32),
            pltpu.VMEM((N_CLS,), jnp.float32),
        ],
        compiler_params=pltpu.CompilerParams(needs_layout_passes=False),
    )(_sc_hist_body)
    return call(idx)


def _finish_body(p_ref, out_ref):
    out_ref[...] = jnp.sum(p_ref[...], axis=0, keepdims=True) * (1.0 / N_ROWS)


_finish_call = pl.pallas_call(
    _finish_body,
    out_shape=jax.ShapeDtypeStruct((1, N_CLS), jnp.float32),
)


@jax.jit
def kernel(input):
    idx = _argmax_call(input.T)
    parts = _sc_hist_call(idx)
    return _finish_call(parts).reshape(N_CLS)

# --- scband reference (transcript-rebuilt; emitter-appended) ---
"""Pipeline reference for scband-basic-count-24893630448205 (READ-ONLY COPY).

The authoritative reference and input builder live on the scoring server;
editing this copy changes nothing except your own understanding.
"""

import jax, jax.numpy as jnp
import numpy as np

N_CLASSES = 64

def setup_inputs(seed: int = 0) -> dict:
    key = jax.random.key(seed)
    x = jax.random.normal(key, (1000000, N_CLASSES), dtype=jnp.float32)
    return {"input": x}

def reference(input):
    n_examples = input.shape[0]
    mx = jnp.argmax(input, axis=1)
    counts = jnp.bincount(mx, minlength=N_CLASSES, length=N_CLASSES)
    frequs = counts.astype(jnp.float32) / n_examples
    return frequs

if __name__ == "__main__":
    import jax
    _d = setup_inputs()
    print(jax.jit(kernel)(*tuple(_d.values())))

</pallas_src>

<mosaic_0001>
#map = affine_map<(d0, d1) -> (0)>
#map1 = affine_map<(d0, d1) -> (0, 0)>
module attributes {stable_mosaic.version = 14 : i64} {
  func.func @_sc_hist_body(%arg0: i32, %arg1: i32, %arg2: memref<1000000xi32, #tpu.memory_space<hbm>>, %arg3: memref<32x64xf32, #tpu.memory_space<hbm>>, %arg4: memref<31312xi32, #tpu.memory_space<vmem>>, %arg5: memref<1024xf32, #tpu.memory_space<vmem>>, %arg6: memref<64xf32, #tpu.memory_space<vmem>>) attributes {dimension_semantics = [#tpu.dimension_semantics<core_parallel>, #tpu.dimension_semantics<subcore_parallel>], iteration_bounds = array<i64: 2, 16>, scalar_prefetch = 0 : i64, scratch_operands = 3 : i64, tpu.core_type = #tpu.core_type<sc_vector_subcore>, window_params = [{transform_indices = #map}, {transform_indices = #map1}]} {
    %mul3A = arith.constant 2 : i32
    %mul3A_0 = arith.muli %arg1, %mul3A : i32
    %add3A = arith.addi %mul3A_0, %arg0 : i32
    %mul3A_1 = arith.constant 31248 : i32
    %mul3A_2 = arith.muli %add3A, %mul3A_1 : i32
    %multiple_of3A = tpu.assume_multiple %mul3A_2, 8 : i32
    "tpu.region"() ({
      %run_scoped3A = tpu.sem_alloc : memref<!tpu.dma_semaphore, #tpu.memory_space<semaphore_mem>>
      %dma_start3A = tpu.memref_slice %arg2[%multiple_of3A] : memref<1000000xi32, #tpu.memory_space<hbm>> -> memref<31312xi32, #tpu.memory_space<hbm>>
      %dma_start3A_338 = tpu.memref_slice %arg2[%multiple_of3A] : memref<1000000xi32, #tpu.memory_space<hbm>> -> memref<31312xi32, #tpu.memory_space<hbm>>
      tpu.enqueue_dma source(%dma_start3A_338 : memref<31312xi32, #tpu.memory_space<hbm>>) target(%arg4 : memref<31312xi32, #tpu.memory_space<vmem>>) target_semaphore(%run_scoped3A : memref<!tpu.dma_semaphore, #tpu.memory_space<semaphore_mem>>)
      %dma_wait3A = tpu.memref_slice %arg2[%multiple_of3A] : memref<1000000xi32, #tpu.memory_space<hbm>> -> memref<31312xi32, #tpu.memory_space<hbm>>
      %dma_wait3A_339 = tpu.memref_slice %arg2[%multiple_of3A] : memref<1000000xi32, #tpu.memory_space<hbm>> -> memref<31312xi32, #tpu.memory_space<hbm>>
      tpu.wait_dma2 semaphore(%run_scoped3A : memref<!tpu.dma_semaphore, #tpu.memory_space<semaphore_mem>>) src(%dma_wait3A_339 : memref<31312xi32, #tpu.memory_space<hbm>>) dst(%arg4 : memref<31312xi32, #tpu.memory_space<vmem>>)
      tpu.yield
    }) : () -> ()
    %broadcast_in_dim3A = arith.constant 0.000000e+00 : f32
    %broadcast_in_dim3A_3 = vector.broadcast %broadcast_in_dim3A : f32 to vector<16xf32>
    %swap3A = arith.constant 0 : index
    %swap3A_4 = tpu.vector_load %arg5[%swap3A] {strides = array<i32>} : memref<1024xf32, #tpu.memory_space<vmem>>, vector<16xf32>,
    tpu.vector_store %arg5[%swap3A], %broadcast_in_dim3A_3 {strides = array<i32>} : memref<1024xf32, #tpu.memory_space<vmem>>, vector<16xf32>,
    %swap3A_5 = arith.constant 16 : index
    %swap3A_6 = tpu.vector_load %arg5[%swap3A_5] {strides = array<i32>} : memref<1024xf32, #tpu.memory_space<vmem>>, vector<16xf32>,
    tpu.vector_store %arg5[%swap3A_5], %broadcast_in_dim3A_3 {strides = array<i32>} : memref<1024xf32, #tpu.memory_space<vmem>>, vector<16xf32>,
    %swap3A_7 = arith.constant 32 : index
    %swap3A_8 = tpu.vector_load %arg5[%swap3A_7] {strides = array<i32>} : memref<1024xf32, #tpu.memory_space<vmem>>, vector<16xf32>,
    tpu.vector_store %arg5[%swap3A_7], %broadcast_in_dim3A_3 {strides = array<i32>} : memref<1024xf32, #tpu.memory_space<vmem>>, vector<16xf32>,
    %swap3A_9 = arith.constant 48 : index
    %swap3A_10 = tpu.vector_load %arg5[%swap3A_9] {strides = array<i32>} : memref<1024xf32, #tpu.memory_space<vmem>>, vector<16xf32>,
    tpu.vector_store %arg5[%swap3A_9], %broadcast_in_dim3A_3 {strides = array<i32>} : memref<1024xf32, #tpu.memory_space<vmem>>, vector<16xf32>,
    %swap3A_11 = arith.constant 64 : index
    %swap3A_12 = tpu.vector_load %arg5[%swap3A_11] {strides = array<i32>} : memref<1024xf32, #tpu.memory_space<vmem>>, vector<16xf32>,
    tpu.vector_store %arg5[%swap3A_11], %broadcast_in_dim3A_3 {strides = array<i32>} : memref<1024xf32, #tpu.memory_space<vmem>>, vector<16xf32>,
    %swap3A_13 = arith.constant 80 : index
    %swap3A_14 = tpu.vector_load %arg5[%swap3A_13] {strides = array<i32>} : memref<1024xf32, #tpu.memory_space<vmem>>, vector<16xf32>,
    tpu.vector_store %arg5[%swap3A_13], %broadcast_in_dim3A_3 {strides = array<i32>} : memref<1024xf32, #tpu.memory_space<vmem>>, vector<16xf32>,
    %swap3A_15 = arith.constant 96 : index
    %swap3A_16 = tpu.vector_load %arg5[%swap3A_15] {strides = array<i32>} : memref<1024xf32, #tpu.memory_space<vmem>>, vector<16xf32>,
    tpu.vector_store %arg5[%swap3A_15], %broadcast_in_dim3A_3 {strides = array<i32>} : memref<1024xf32, #tpu.memory_space<vmem>>, vector<16xf32>,
    %swap3A_17 = arith.constant 112 : index
    %swap3A_18 = tpu.vector_load %arg5[%swap3A_17] {strides = array<i32>} : memref<1024xf32, #tpu.memory_space<vmem>>, vector<16xf32>,
    tpu.vector_store %arg5[%swap3A_17], %broadcast_in_dim3A_3 {strides = array<i32>} : memref<1024xf32, #tpu.memory_space<vmem>>, vector<16xf32>,
    %swap3A_19 = arith.constant 128 : index
    %swap3A_20 = tpu.vector_load %arg5[%swap3A_19] {strides = array<i32>} : memref<1024xf32, #tpu.memory_space<vmem>>, vector<16xf32>,
    tpu.vector_store %arg5[%swap3A_19], %broadcast_in_dim3A_3 {strides = array<i32>} : memref<1024xf32, #tpu.memory_space<vmem>>, vector<16xf32>,
    %swap3A_21 = arith.constant 144 : index
    %swap3A_22 = tpu.vector_load %arg5[%swap3A_21] {strides = array<i32>} : memref<1024xf32, #tpu.memory_space<vmem>>, vector<16xf32>,
    tpu.vector_store %arg5[%swap3A_21], %broadcast_in_dim3A_3 {strides = array<i32>} : memref<1024xf32, #tpu.memory_space<vmem>>, vector<16xf32>,
    %swap3A_23 = arith.constant 160 : index
    %swap3A_24 = tpu.vector_load %arg5[%swap3A_23] {strides = array<i32>} : memref<1024xf32, #tpu.memory_space<vmem>>, vector<16xf32>,
    tpu.vector_store %arg5[%swap3A_23], %broadcast_in_dim3A_3 {strides = array<i32>} : memref<1024xf32, #tpu.memory_space<vmem>>, vector<16xf32>,
    %swap3A_25 = arith.constant 176 : index
    %swap3A_26 = tpu.vector_load %arg5[%swap3A_25] {strides = array<i32>} : memref<1024xf32, #tpu.memory_space<vmem>>, vector<16xf32>,
    tpu.vector_store %arg5[%swap3A_25], %broadcast_in_dim3A_3 {strides = array<i32>} : memref<1024xf32, #tpu.memory_space<vmem>>, vector<16xf32>,
    %swap3A_27 = arith.constant 192 : index
    %swap3A_28 = tpu.vector_load %arg5[%swap3A_27] {strides = array<i32>} : memref<1024xf32, #tpu.memory_space<vmem>>, vector<16xf32>,
    tpu.vector_store %arg5[%swap3A_27], %broadcast_in_dim3A_3 {strides = array<i32>} : memref<1024xf32, #tpu.memory_space<vmem>>, vector<16xf32>,
    %swap3A_29 = arith.constant 208 : index
    %swap3A_30 = tpu.vector_load %arg5[%swap3A_29] {strides = array<i32>} : memref<1024xf32, #tpu.memory_space<vmem>>, vector<16xf32>,
    tpu.vector_store %arg5[%swap3A_29], %broadcast_in_dim3A_3 {strides = array<i32>} : memref<1024xf32, #tpu.memory_space<vmem>>, vector<16xf32>,
    %swap3A_31 = arith.constant 224 : index
    %swap3A_32 = tpu.vector_load %arg5[%swap3A_31] {strides = array<i32>} : memref<1024xf32, #tpu.memory_space<vmem>>, vector<16xf32>,
    tpu.vector_store %arg5[%swap3A_31], %broadcast_in_dim3A_3 {strides = array<i32>} : memref<1024xf32, #tpu.memory_space<vmem>>, vector<16xf32>,
    %swap3A_33 = arith.constant 240 : index
    %swap3A_34 = tpu.vector_load %arg5[%swap3A_33] {strides = array<i32>} : memref<1024xf32, #tpu.memory_space<vmem>>, vector<16xf32>,
    tpu.vector_store %arg5[%swap3A_33], %broadcast_in_dim3A_3 {strides = array<i32>} : memref<1024xf32, #tpu.memory_space<vmem>>, vector<16xf32>,
    %swap3A_35 = arith.constant 256 : index
    %swap3A_36 = tpu.vector_load %arg5[%swap3A_35] {strides = array<i32>} : memref<1024xf32, #tpu.memory_space<vmem>>, vector<16xf32>,
    tpu.vector_store %arg5[%swap3A_35], %broadcast_in_dim3A_3 {strides = array<i32>} : memref<1024xf32, #tpu.memory_space<vmem>>, vector<16xf32>,
    %swap3A_37 = arith.constant 272 : index
    %swap3A_38 = tpu.vector_load %arg5[%swap3A_37] {strides = array<i32>} : memref<1024xf32, #tpu.memory_space<vmem>>, vector<16xf32>,
    tpu.vector_store %arg5[%swap3A_37], %broadcast_in_dim3A_3 {strides = array<i32>} : memref<1024xf32, #tpu.memory_space<vmem>>, vector<16xf32>,
    %swap3A_39 = arith.constant 288 : index
    %swap3A_40 = tpu.vector_load %arg5[%swap3A_39] {strides = array<i32>} : memref<1024xf32, #tpu.memory_space<vmem>>, vector<16xf32>,
    tpu.vector_store %arg5[%swap3A_39], %broadcast_in_dim3A_3 {strides = array<i32>} : memref<1024xf32, #tpu.memory_space<vmem>>, vector<16xf32>,
    %swap3A_41 = arith.constant 304 : index
    %swap3A_42 = tpu.vector_load %arg5[%swap3A_41] {strides = array<i32>} : memref<1024xf32, #tpu.memory_space<vmem>>, vector<16xf32>,
    tpu.vector_store %arg5[%swap3A_41], %broadcast_in_dim3A_3 {strides = array<i32>} : memref<1024xf32, #tpu.memory_space<vmem>>, vector<16xf32>,
    %swap3A_43 = arith.constant 320 : index
    %swap3A_44 = tpu.vector_load %arg5[%swap3A_43] {strides = array<i32>} : memref<1024xf32, #tpu.memory_space<vmem>>, vector<16xf32>,
    tpu.vector_store %arg5[%swap3A_43], %broadcast_in_dim3A_3 {strides = array<i32>} : memref<1024xf32, #tpu.memory_space<vmem>>, vector<16xf32>,
    %swap3A_45 = arith.constant 336 : index
    %swap3A_46 = tpu.vector_load %arg5[%swap3A_45] {strides = array<i32>} : memref<1024xf32, #tpu.memory_space<vmem>>, vector<16xf32>,
    tpu.vector_store %arg5[%swap3A_45], %broadcast_in_dim3A_3 {strides = array<i32>} : memref<1024xf32, #tpu.memory_space<vmem>>, vector<16xf32>,
    %swap3A_47 = arith.constant 352 : index
    %swap3A_48 = tpu.vector_load %arg5[%swap3A_47] {strides = array<i32>} : memref<1024xf32, #tpu.memory_space<vmem>>, vector<16xf32>,
    tpu.vector_store %arg5[%swap3A_47], %broadcast_in_dim3A_3 {strides = array<i32>} : memref<1024xf32, #tpu.memory_space<vmem>>, vector<16xf32>,
    %swap3A_49 = arith.constant 368 : index
    %swap3A_50 = tpu.vector_load %arg5[%swap3A_49] {strides = array<i32>} : memref<1024xf32, #tpu.memory_space<vmem>>, vector<16xf32>,
    tpu.vector_store %arg5[%swap3A_49], %broadcast_in_dim3A_3 {strides = array<i32>} : memref<1024xf32, #tpu.memory_space<vmem>>, vector<16xf32>,
    %swap3A_51 = arith.constant 384 : index
    %swap3A_52 = tpu.vector_load %arg5[%swap3A_51] {strides = array<i32>} : memref<1024xf32, #tpu.memory_space<vmem>>, vector<16xf32>,
    tpu.vector_store %arg5[%swap3A_51], %broadcast_in_dim3A_3 {strides = array<i32>} : memref<1024xf32, #tpu.memory_space<vmem>>, vector<16xf32>,
    %swap3A_53 = arith.constant 400 : index
    %swap3A_54 = tpu.vector_load %arg5[%swap3A_53] {strides = array<i32>} : memref<1024xf32, #tpu.memory_space<vmem>>, vector<16xf32>,
    tpu.vector_store %arg5[%swap3A_53], %broadcast_in_dim3A_3 {strides = array<i32>} : memref<1024xf32, #tpu.memory_space<vmem>>, vector<16xf32>,
    %swap3A_55 = arith.constant 416 : index
    %swap3A_56 = tpu.vector_load %arg5[%swap3A_55] {strides = array<i32>} : memref<1024xf32, #tpu.memory_space<vmem>>, vector<16xf32>,
    tpu.vector_store %arg5[%swap3A_55], %broadcast_in_dim3A_3 {strides = array<i32>} : memref<1024xf32, #tpu.memory_space<vmem>>, vector<16xf32>,
    %swap3A_57 = arith.constant 432 : index
    %swap3A_58 = tpu.vector_load %arg5[%swap3A_57] {strides = array<i32>} : memref<1024xf32, #tpu.memory_space<vmem>>, vector<16xf32>,
    tpu.vector_store %arg5[%swap3A_57], %broadcast_in_dim3A_3 {strides = array<i32>} : memref<1024xf32, #tpu.memory_space<vmem>>, vector<16xf32>,
    %swap3A_59 = arith.constant 448 : index
    %swap3A_60 = tpu.vector_load %arg5[%swap3A_59] {strides = array<i32>} : memref<1024xf32, #tpu.memory_space<vmem>>, vector<16xf32>,
    tpu.vector_store %arg5[%swap3A_59], %broadcast_in_dim3A_3 {strides = array<i32>} : memref<1024xf32, #tpu.memory_space<vmem>>, vector<16xf32>,
    %swap3A_61 = arith.constant 464 : index
    %swap3A_62 = tpu.vector_load %arg5[%swap3A_61] {strides = array<i32>} : memref<1024xf32, #tpu.memory_space<vmem>>, vector<16xf32>,
    tpu.vector_store %arg5[%swap3A_61], %broadcast_in_dim3A_3 {strides = array<i32>} : memref<1024xf32, #tpu.memory_space<vmem>>, vector<16xf32>,
    %swap3A_63 = arith.constant 480 : index
    %swap3A_64 = tpu.vector_load %arg5[%swap3A_63] {strides = array<i32>} : memref<1024xf32, #tpu.memory_space<vmem>>, vector<16xf32>,
    tpu.vector_store %arg5[%swap3A_63], %broadcast_in_dim3A_3 {strides = array<i32>} : memref<1024xf32, #tpu.memory_space<vmem>>, vector<16xf32>,
    %swap3A_65 = arith.constant 496 : index
    %swap3A_66 = tpu.vector_load %arg5[%swap3A_65] {strides = array<i32>} : memref<1024xf32, #tpu.memory_space<vmem>>, vector<16xf32>,
    tpu.vector_store %arg5[%swap3A_65], %broadcast_in_dim3A_3 {strides = array<i32>} : memref<1024xf32, #tpu.memory_space<vmem>>, vector<16xf32>,
    %swap3A_67 = arith.constant 512 : index
    %swap3A_68 = tpu.vector_load %arg5[%swap3A_67] {strides = array<i32>} : memref<1024xf32, #tpu.memory_space<vmem>>, vector<16xf32>,
    tpu.vector_store %arg5[%swap3A_67], %broadcast_in_dim3A_3 {strides = array<i32>} : memref<1024xf32, #tpu.memory_space<vmem>>, vector<16xf32>,
    %swap3A_69 = arith.constant 528 : index
    %swap3A_70 = tpu.vector_load %arg5[%swap3A_69] {strides = array<i32>} : memref<1024xf32, #tpu.memory_space<vmem>>, vector<16xf32>,
    tpu.vector_store %arg5[%swap3A_69], %broadcast_in_dim3A_3 {strides = array<i32>} : memref<1024xf32, #tpu.memory_space<vmem>>, vector<16xf32>,
    %swap3A_71 = arith.constant 544 : index
    %swap3A_72 = tpu.vector_load %arg5[%swap3A_71] {strides = array<i32>} : memref<1024xf32, #tpu.memory_space<vmem>>, vector<16xf32>,
    tpu.vector_store %arg5[%swap3A_71], %broadcast_in_dim3A_3 {strides = array<i32>} : memref<1024xf32, #tpu.memory_space<vmem>>, vector<16xf32>,
    %swap3A_73 = arith.constant 560 : index
    %swap3A_74 = tpu.vector_load %arg5[%swap3A_73] {strides = array<i32>} : memref<1024xf32, #tpu.memory_space<vmem>>, vector<16xf32>,
    tpu.vector_store %arg5[%swap3A_73], %broadcast_in_dim3A_3 {strides = array<i32>} : memref<1024xf32, #tpu.memory_space<vmem>>, vector<16xf32>,
    %swap3A_75 = arith.constant 576 : index
    %swap3A_76 = tpu.vector_load %arg5[%swap3A_75] {strides = array<i32>} : memref<1024xf32, #tpu.memory_space<vmem>>, vector<16xf32>,
    tpu.vector_store %arg5[%swap3A_75], %broadcast_in_dim3A_3 {strides = array<i32>} : memref<1024xf32, #tpu.memory_space<vmem>>, vector<16xf32>,
    %swap3A_77 = arith.constant 592 : index
    %swap3A_78 = tpu.vector_load %arg5[%swap3A_77] {strides = array<i32>} : memref<1024xf32, #tpu.memory_space<vmem>>, vector<16xf32>,
    tpu.vector_store %arg5[%swap3A_77], %broadcast_in_dim3A_3 {strides = array<i32>} : memref<1024xf32, #tpu.memory_space<vmem>>, vector<16xf32>,
    %swap3A_79 = arith.constant 608 : index
    %swap3A_80 = tpu.vector_load %arg5[%swap3A_79] {strides = array<i32>} : memref<1024xf32, #tpu.memory_space<vmem>>, vector<16xf32>,
    tpu.vector_store %arg5[%swap3A_79], %broadcast_in_dim3A_3 {strides = array<i32>} : memref<1024xf32, #tpu.memory_space<vmem>>, vector<16xf32>,
    %swap3A_81 = arith.constant 624 : index
    %swap3A_82 = tpu.vector_load %arg5[%swap3A_81] {strides = array<i32>} : memref<1024xf32, #tpu.memory_space<vmem>>, vector<16xf32>,
    tpu.vector_store %arg5[%swap3A_81], %broadcast_in_dim3A_3 {strides = array<i32>} : memref<1024xf32, #tpu.memory_space<vmem>>, vector<16xf32>,
    %swap3A_83 = arith.constant 640 : index
    %swap3A_84 = tpu.vector_load %arg5[%swap3A_83] {strides = array<i32>} : memref<1024xf32, #tpu.memory_space<vmem>>, vector<16xf32>,
    tpu.vector_store %arg5[%swap3A_83], %broadcast_in_dim3A_3 {strides = array<i32>} : memref<1024xf32, #tpu.memory_space<vmem>>, vector<16xf32>,
    %swap3A_85 = arith.constant 656 : index
    %swap3A_86 = tpu.vector_load %arg5[%swap3A_85] {strides = array<i32>} : memref<1024xf32, #tpu.memory_space<vmem>>, vector<16xf32>,
    tpu.vector_store %arg5[%swap3A_85], %broadcast_in_dim3A_3 {strides = array<i32>} : memref<1024xf32, #tpu.memory_space<vmem>>, vector<16xf32>,
    %swap3A_87 = arith.constant 672 : index
    %swap3A_88 = tpu.vector_load %arg5[%swap3A_87] {strides = array<i32>} : memref<1024xf32, #tpu.memory_space<vmem>>, vector<16xf32>,
    tpu.vector_store %arg5[%swap3A_87], %broadcast_in_dim3A_3 {strides = array<i32>} : memref<1024xf32, #tpu.memory_space<vmem>>, vector<16xf32>,
    %swap3A_89 = arith.constant 688 : index
    %swap3A_90 = tpu.vector_load %arg5[%swap3A_89] {strides = array<i32>} : memref<1024xf32, #tpu.memory_space<vmem>>, vector<16xf32>,
    tpu.vector_store %arg5[%swap3A_89], %broadcast_in_dim3A_3 {strides = array<i32>} : memref<1024xf32, #tpu.memory_space<vmem>>, vector<16xf32>,
    %swap3A_91 = arith.constant 704 : index
    %swap3A_92 = tpu.vector_load %arg5[%swap3A_91] {strides = array<i32>} : memref<1024xf32, #tpu.memory_space<vmem>>, vector<16xf32>,
    tpu.vector_store %arg5[%swap3A_91], %broadcast_in_dim3A_3 {strides = array<i32>} : memref<1024xf32, #tpu.memory_space<vmem>>, vector<16xf32>,
    %swap3A_93 = arith.constant 720 : index
    %swap3A_94 = tpu.vector_load %arg5[%swap3A_93] {strides = array<i32>} : memref<1024xf32, #tpu.memory_space<vmem>>, vector<16xf32>,
    tpu.vector_store %arg5[%swap3A_93], %broadcast_in_dim3A_3 {strides = array<i32>} : memref<1024xf32, #tpu.memory_space<vmem>>, vector<16xf32>,
    %swap3A_95 = arith.constant 736 : index
    %swap3A_96 = tpu.vector_load %arg5[%swap3A_95] {strides = array<i32>} : memref<1024xf32, #tpu.memory_space<vmem>>, vector<16xf32>,
    tpu.vector_store %arg5[%swap3A_95], %broadcast_in_dim3A_3 {strides = array<i32>} : memref<1024xf32, #tpu.memory_space<vmem>>, vector<16xf32>,
    %swap3A_97 = arith.constant 752 : index
    %swap3A_98 = tpu.vector_load %arg5[%swap3A_97] {strides = array<i32>} : memref<1024xf32, #tpu.memory_space<vmem>>, vector<16xf32>,
    tpu.vector_store %arg5[%swap3A_97], %broadcast_in_dim3A_3 {strides = array<i32>} : memref<1024xf32, #tpu.memory_space<vmem>>, vector<16xf32>,
    %swap3A_99 = arith.constant 768 : index
    %swap3A_100 = tpu.vector_load %arg5[%swap3A_99] {strides = array<i32>} : memref<1024xf32, #tpu.memory_space<vmem>>, vector<16xf32>,
    tpu.vector_store %arg5[%swap3A_99], %broadcast_in_dim3A_3 {strides = array<i32>} : memref<1024xf32, #tpu.memory_space<vmem>>, vector<16xf32>,
    %swap3A_101 = arith.constant 784 : index
    %swap3A_102 = tpu.vector_load %arg5[%swap3A_101] {strides = array<i32>} : memref<1024xf32, #tpu.memory_space<vmem>>, vector<16xf32>,
    tpu.vector_store %arg5[%swap3A_101], %broadcast_in_dim3A_3 {strides = array<i32>} : memref<1024xf32, #tpu.memory_space<vmem>>, vector<16xf32>,
    %swap3A_103 = arith.constant 800 : index
    %swap3A_104 = tpu.vector_load %arg5[%swap3A_103] {strides = array<i32>} : memref<1024xf32, #tpu.memory_space<vmem>>, vector<16xf32>,
    tpu.vector_store %arg5[%swap3A_103], %broadcast_in_dim3A_3 {strides = array<i32>} : memref<1024xf32, #tpu.memory_space<vmem>>, vector<16xf32>,
    %swap3A_105 = arith.constant 816 : index
    %swap3A_106 = tpu.vector_load %arg5[%swap3A_105] {strides = array<i32>} : memref<1024xf32, #tpu.memory_space<vmem>>, vector<16xf32>,
    tpu.vector_store %arg5[%swap3A_105], %broadcast_in_dim3A_3 {strides = array<i32>} : memref<1024xf32, #tpu.memory_space<vmem>>, vector<16xf32>,
    %swap3A_107 = arith.constant 832 : index
    %swap3A_108 = tpu.vector_load %arg5[%swap3A_107] {strides = array<i32>} : memref<1024xf32, #tpu.memory_space<vmem>>, vector<16xf32>,
    tpu.vector_store %arg5[%swap3A_107], %broadcast_in_dim3A_3 {strides = array<i32>} : memref<1024xf32, #tpu.memory_space<vmem>>, vector<16xf32>,
    %swap3A_109 = arith.constant 848 : index
    %swap3A_110 = tpu.vector_load %arg5[%swap3A_109] {strides = array<i32>} : memref<1024xf32, #tpu.memory_space<vmem>>, vector<16xf32>,
    tpu.vector_store %arg5[%swap3A_109], %broadcast_in_dim3A_3 {strides = array<i32>} : memref<1024xf32, #tpu.memory_space<vmem>>, vector<16xf32>,
    %swap3A_111 = arith.constant 864 : index
    %swap3A_112 = tpu.vector_load %arg5[%swap3A_111] {strides = array<i32>} : memref<1024xf32, #tpu.memory_space<vmem>>, vector<16xf32>,
    tpu.vector_store %arg5[%swap3A_111], %broadcast_in_dim3A_3 {strides = array<i32>} : memref<1024xf32, #tpu.memory_space<vmem>>, vector<16xf32>,
    %swap3A_113 = arith.constant 880 : index
    %swap3A_114 = tpu.vector_load %arg5[%swap3A_113] {strides = array<i32>} : memref<1024xf32, #tpu.memory_space<vmem>>, vector<16xf32>,
    tpu.vector_store %arg5[%swap3A_113], %broadcast_in_dim3A_3 {strides = array<i32>} : memref<1024xf32, #tpu.memory_space<vmem>>, vector<16xf32>,
    %swap3A_115 = arith.constant 896 : index
    %swap3A_116 = tpu.vector_load %arg5[%swap3A_115] {strides = array<i32>} : memref<1024xf32, #tpu.memory_space<vmem>>, vector<16xf32>,
    tpu.vector_store %arg5[%swap3A_115], %broadcast_in_dim3A_3 {strides = array<i32>} : memref<1024xf32, #tpu.memory_space<vmem>>, vector<16xf32>,
    %swap3A_117 = arith.constant 912 : index
    %swap3A_118 = tpu.vector_load %arg5[%swap3A_117] {strides = array<i32>} : memref<1024xf32, #tpu.memory_space<vmem>>, vector<16xf32>,
    tpu.vector_store %arg5[%swap3A_117], %broadcast_in_dim3A_3 {strides = array<i32>} : memref<1024xf32, #tpu.memory_space<vmem>>, vector<16xf32>,
    %swap3A_119 = arith.constant 928 : index
    %swap3A_120 = tpu.vector_load %arg5[%swap3A_119] {strides = array<i32>} : memref<1024xf32, #tpu.memory_space<vmem>>, vector<16xf32>,
    tpu.vector_store %arg5[%swap3A_119], %broadcast_in_dim3A_3 {strides = array<i32>} : memref<1024xf32, #tpu.memory_space<vmem>>, vector<16xf32>,
    %swap3A_121 = arith.constant 944 : index
    %swap3A_122 = tpu.vector_load %arg5[%swap3A_121] {strides = array<i32>} : memref<1024xf32, #tpu.memory_space<vmem>>, vector<16xf32>,
    tpu.vector_store %arg5[%swap3A_121], %broadcast_in_dim3A_3 {strides = array<i32>} : memref<1024xf32, #tpu.memory_space<vmem>>, vector<16xf32>,
    %swap3A_123 = arith.constant 960 : index
    %swap3A_124 = tpu.vector_load %arg5[%swap3A_123] {strides = array<i32>} : memref<1024xf32, #tpu.memory_space<vmem>>, vector<16xf32>,
    tpu.vector_store %arg5[%swap3A_123], %broadcast_in_dim3A_3 {strides = array<i32>} : memref<1024xf32, #tpu.memory_space<vmem>>, vector<16xf32>,
    %swap3A_125 = arith.constant 976 : index
    %swap3A_126 = tpu.vector_load %arg5[%swap3A_125] {strides = array<i32>} : memref<1024xf32, #tpu.memory_space<vmem>>, vector<16xf32>,
    tpu.vector_store %arg5[%swap3A_125], %broadcast_in_dim3A_3 {strides = array<i32>} : memref<1024xf32, #tpu.memory_space<vmem>>, vector<16xf32>,
    %swap3A_127 = arith.constant 992 : index
    %swap3A_128 = tpu.vector_load %arg5[%swap3A_127] {strides = array<i32>} : memref<1024xf32, #tpu.memory_space<vmem>>, vector<16xf32>,
    tpu.vector_store %arg5[%swap3A_127], %broadcast_in_dim3A_3 {strides = array<i32>} : memref<1024xf32, #tpu.memory_space<vmem>>, vector<16xf32>,
    %swap3A_129 = arith.constant 1008 : index
    %swap3A_130 = tpu.vector_load %arg5[%swap3A_129] {strides = array<i32>} : memref<1024xf32, #tpu.memory_space<vmem>>, vector<16xf32>,
    tpu.vector_store %arg5[%swap3A_129], %broadcast_in_dim3A_3 {strides = array<i32>} : memref<1024xf32, #tpu.memory_space<vmem>>, vector<16xf32>,
    %iota3A = tpu.iota {dimensions = array<i32: 0>} : vector<16xi32>
    %mul3A_131 = arith.constant 64 : i32
    %mul3A_132 = vector.broadcast %mul3A_131 : i32 to vector<16xi32>
    %mul3A_133 = arith.muli %iota3A, %mul3A_132 : vector<16xi32>
    %broadcast_in_dim3A_134 = arith.constant 1.000000e+00 : f32
    %broadcast_in_dim3A_135 = vector.broadcast %broadcast_in_dim3A_134 : f32 to vector<16xf32>
    %eq3A = arith.constant 31 : i32
    %eq3A_136 = arith.cmpi eq, %add3A, %eq3A : i32
    %jit3A = arith.constant 31312 : i32
    %jit3A_137 = arith.constant 31248 : i32
    %select_n3A = arith.select %eq3A_136, %jit3A, %jit3A_137 : i32
    %scan3A = arith.constant 0 : i32
    %scan3A_138 = arith.constant 0 : i32
    %scan3A_139 = arith.constant 1957 : i32
    %scan3A_140 = arith.addi %scan3A_138, %scan3A_139 : i32
    %scan3A_141 = arith.constant 1 : i32
    scf.for %scan3A_338 = %scan3A_138 to %scan3A_140 step %scan3A_141  : i32 {
      %mul3A_339 = arith.constant 16 : i32
      %mul3A_340 = arith.muli %scan3A_338, %mul3A_339 : i32
      %get3A_341 = arith.index_cast %mul3A_340 : i32 to index
      %get3A_342 = tpu.vector_load %arg4[%get3A_341] {strides = array<i32>} : memref<31312xi32, #tpu.memory_space<vmem>>, vector<16xi32>,
      %add3A_343 = vector.broadcast %mul3A_340 : i32 to vector<16xi32>
      %add3A_344 = arith.addi %iota3A, %add3A_343 : vector<16xi32>
      %lt3A = vector.broadcast %select_n3A : i32 to vector<16xi32>
      %lt3A_345 = arith.cmpi slt, %add3A_344, %lt3A : vector<16xi32>
      %add3A_346 = arith.addi %get3A_342, %mul3A_133 : vector<16xi32>
      tpu.vector_store_idx %arg5[%add3A_346], %broadcast_in_dim3A_135 masked %lt3A_345 {add = true} : memref<1024xf32, #tpu.memory_space<vmem>>[vector<16xi32>], vector<16xf32>, vector<16xi1>
    }
    %scan3A_142 = arith.constant 1957 : i32
    %get3A = arith.constant 0 : index
    %get3A_143 = tpu.vector_load %arg5[%get3A] {strides = array<i32>} : memref<1024xf32, #tpu.memory_space<vmem>>, vector<16xf32>,
    %get3A_144 = arith.constant 64 : index
    %get3A_145 = tpu.vector_load %arg5[%get3A_144] {strides = array<i32>} : memref<1024xf32, #tpu.memory_space<vmem>>, vector<16xf32>,
    %add3A_146 = arith.addf %get3A_143, %get3A_145 : vector<16xf32>
    %get3A_147 = arith.constant 128 : index
    %get3A_148 = tpu.vector_load %arg5[%get3A_147] {strides = array<i32>} : memref<1024xf32, #tpu.memory_space<vmem>>, vector<16xf32>,
    %add3A_149 = arith.addf %add3A_146, %get3A_148 : vector<16xf32>
    %get3A_150 = arith.constant 192 : index
    %get3A_151 = tpu.vector_load %arg5[%get3A_150] {strides = array<i32>} : memref<1024xf32, #tpu.memory_space<vmem>>, vector<16xf32>,
    %add3A_152 = arith.addf %add3A_149, %get3A_151 : vector<16xf32>
    %get3A_153 = arith.constant 256 : index
    %get3A_154 = tpu.vector_load %arg5[%get3A_153] {strides = array<i32>} : memref<1024xf32, #tpu.memory_space<vmem>>, vector<16xf32>,
    %add3A_155 = arith.addf %add3A_152, %get3A_154 : vector<16xf32>
    %get3A_156 = arith.constant 320 : index
    %get3A_157 = tpu.vector_load %arg5[%get3A_156] {strides = array<i32>} : memref<1024xf32, #tpu.memory_space<vmem>>, vector<16xf32>,
    %add3A_158 = arith.addf %add3A_155, %get3A_157 : vector<16xf32>
    %get3A_159 = arith.constant 384 : index
    %get3A_160 = tpu.vector_load %arg5[%get3A_159] {strides = array<i32>} : memref<1024xf32, #tpu.memory_space<vmem>>, vector<16xf32>,
    %add3A_161 = arith.addf %add3A_158, %get3A_160 : vector<16xf32>
    %get3A_162 = arith.constant 448 : index
    %get3A_163 = tpu.vector_load %arg5[%get3A_162] {strides = array<i32>} : memref<1024xf32, #tpu.memory_space<vmem>>, vector<16xf32>,
    %add3A_164 = arith.addf %add3A_161, %get3A_163 : vector<16xf32>
    %get3A_165 = arith.constant 512 : index
    %get3A_166 = tpu.vector_load %arg5[%get3A_165] {strides = array<i32>} : memref<1024xf32, #tpu.memory_space<vmem>>, vector<16xf32>,
    %add3A_167 = arith.addf %add3A_164, %get3A_166 : vector<16xf32>
    %get3A_168 = arith.constant 576 : index
    %get3A_169 = tpu.vector_load %arg5[%get3A_168] {strides = array<i32>} : memref<1024xf32, #tpu.memory_space<vmem>>, vector<16xf32>,
    %add3A_170 = arith.addf %add3A_167, %get3A_169 : vector<16xf32>
    %get3A_171 = arith.constant 640 : index
    %get3A_172 = tpu.vector_load %arg5[%get3A_171] {strides = array<i32>} : memref<1024xf32, #tpu.memory_space<vmem>>, vector<16xf32>,
    %add3A_173 = arith.addf %add3A_170, %get3A_172 : vector<16xf32>
    %get3A_174 = arith.constant 704 : index
    %get3A_175 = tpu.vector_load %arg5[%get3A_174] {strides = array<i32>} : memref<1024xf32, #tpu.memory_space<vmem>>, vector<16xf32>,
    %add3A_176 = arith.addf %add3A_173, %get3A_175 : vector<16xf32>
    %get3A_177 = arith.constant 768 : index
    %get3A_178 = tpu.vector_load %arg5[%get3A_177] {strides = array<i32>} : memref<1024xf32, #tpu.memory_space<vmem>>, vector<16xf32>,
    %add3A_179 = arith.addf %add3A_176, %get3A_178 : vector<16xf32>
    %get3A_180 = arith.constant 832 : index
    %get3A_181 = tpu.vector_load %arg5[%get3A_180] {strides = array<i32>} : memref<1024xf32, #tpu.memory_space<vmem>>, vector<16xf32>,
    %add3A_182 = arith.addf %add3A_179, %get3A_181 : vector<16xf32>
    %get3A_183 = arith.constant 896 : index
    %get3A_184 = tpu.vector_load %arg5[%get3A_183] {strides = array<i32>} : memref<1024xf32, #tpu.memory_space<vmem>>, vector<16xf32>,
    %add3A_185 = arith.addf %add3A_182, %get3A_184 : vector<16xf32>
    %get3A_186 = arith.constant 960 : index
    %get3A_187 = tpu.vector_load %arg5[%get3A_186] {strides = array<i32>} : memref<1024xf32, #tpu.memory_space<vmem>>, vector<16xf32>,
    %add3A_188 = arith.addf %add3A_185, %get3A_187 : vector<16xf32>
    %swap3A_189 = arith.constant 0 : index
    %swap3A_190 = tpu.vector_load %arg6[%swap3A_189] {strides = array<i32>} : memref<64xf32, #tpu.memory_space<vmem>>, vector<16xf32>,
    tpu.vector_store %arg6[%swap3A_189], %add3A_188 {strides = array<i32>} : memref<64xf32, #tpu.memory_space<vmem>>, vector<16xf32>,
    %get3A_191 = arith.constant 16 : index
    %get3A_192 = tpu.vector_load %arg5[%get3A_191] {strides = array<i32>} : memref<1024xf32, #tpu.memory_space<vmem>>, vector<16xf32>,
    %get3A_193 = arith.constant 80 : index
    %get3A_194 = tpu.vector_load %arg5[%get3A_193] {strides = array<i32>} : memref<1024xf32, #tpu.memory_space<vmem>>, vector<16xf32>,
    %add3A_195 = arith.addf %get3A_192, %get3A_194 : vector<16xf32>
    %get3A_196 = arith.constant 144 : index
    %get3A_197 = tpu.vector_load %arg5[%get3A_196] {strides = array<i32>} : memref<1024xf32, #tpu.memory_space<vmem>>, vector<16xf32>,
    %add3A_198 = arith.addf %add3A_195, %get3A_197 : vector<16xf32>
    %get3A_199 = arith.constant 208 : index
    %get3A_200 = tpu.vector_load %arg5[%get3A_199] {strides = array<i32>} : memref<1024xf32, #tpu.memory_space<vmem>>, vector<16xf32>,
    %add3A_201 = arith.addf %add3A_198, %get3A_200 : vector<16xf32>
    %get3A_202 = arith.constant 272 : index
    %get3A_203 = tpu.vector_load %arg5[%get3A_202] {strides = array<i32>} : memref<1024xf32, #tpu.memory_space<vmem>>, vector<16xf32>,
    %add3A_204 = arith.addf %add3A_201, %get3A_203 : vector<16xf32>
    %get3A_205 = arith.constant 336 : index
    %get3A_206 = tpu.vector_load %arg5[%get3A_205] {strides = array<i32>} : memref<1024xf32, #tpu.memory_space<vmem>>, vector<16xf32>,
    %add3A_207 = arith.addf %add3A_204, %get3A_206 : vector<16xf32>
    %get3A_208 = arith.constant 400 : index
    %get3A_209 = tpu.vector_load %arg5[%get3A_208] {strides = array<i32>} : memref<1024xf32, #tpu.memory_space<vmem>>, vector<16xf32>,
    %add3A_210 = arith.addf %add3A_207, %get3A_209 : vector<16xf32>
    %get3A_211 = arith.constant 464 : index
    %get3A_212 = tpu.vector_load %arg5[%get3A_211] {strides = array<i32>} : memref<1024xf32, #tpu.memory_space<vmem>>, vector<16xf32>,
    %add3A_213 = arith.addf %add3A_210, %get3A_212 : vector<16xf32>
    %get3A_214 = arith.constant 528 : index
    %get3A_215 = tpu.vector_load %arg5[%get3A_214] {strides = array<i32>} : memref<1024xf32, #tpu.memory_space<vmem>>, vector<16xf32>,
    %add3A_216 = arith.addf %add3A_213, %get3A_215 : vector<16xf32>
    %get3A_217 = arith.constant 592 : index
    %get3A_218 = tpu.vector_load %arg5[%get3A_217] {strides = array<i32>} : memref<1024xf32, #tpu.memory_space<vmem>>, vector<16xf32>,
    %add3A_219 = arith.addf %add3A_216, %get3A_218 : vector<16xf32>
    %get3A_220 = arith.constant 656 : index
    %get3A_221 = tpu.vector_load %arg5[%get3A_220] {strides = array<i32>} : memref<1024xf32, #tpu.memory_space<vmem>>, vector<16xf32>,
    %add3A_222 = arith.addf %add3A_219, %get3A_221 : vector<16xf32>
    %get3A_223 = arith.constant 720 : index
    %get3A_224 = tpu.vector_load %arg5[%get3A_223] {strides = array<i32>} : memref<1024xf32, #tpu.memory_space<vmem>>, vector<16xf32>,
    %add3A_225 = arith.addf %add3A_222, %get3A_224 : vector<16xf32>
    %get3A_226 = arith.constant 784 : index
    %get3A_227 = tpu.vector_load %arg5[%get3A_226] {strides = array<i32>} : memref<1024xf32, #tpu.memory_space<vmem>>, vector<16xf32>,
    %add3A_228 = arith.addf %add3A_225, %get3A_227 : vector<16xf32>
    %get3A_229 = arith.constant 848 : index
    %get3A_230 = tpu.vector_load %arg5[%get3A_229] {strides = array<i32>} : memref<1024xf32, #tpu.memory_space<vmem>>, vector<16xf32>,
    %add3A_231 = arith.addf %add3A_228, %get3A_230 : vector<16xf32>
    %get3A_232 = arith.constant 912 : index
    %get3A_233 = tpu.vector_load %arg5[%get3A_232] {strides = array<i32>} : memref<1024xf32, #tpu.memory_space<vmem>>, vector<16xf32>,
    %add3A_234 = arith.addf %add3A_231, %get3A_233 : vector<16xf32>
    %get3A_235 = arith.constant 976 : index
    %get3A_236 = tpu.vector_load %arg5[%get3A_235] {strides = array<i32>} : memref<1024xf32, #tpu.memory_space<vmem>>, vector<16xf32>,
    %add3A_237 = arith.addf %add3A_234, %get3A_236 : vector<16xf32>
    %swap3A_238 = arith.constant 16 : index
    %swap3A_239 = tpu.vector_load %arg6[%swap3A_238] {strides = array<i32>} : memref<64xf32, #tpu.memory_space<vmem>>, vector<16xf32>,
    tpu.vector_store %arg6[%swap3A_238], %add3A_237 {strides = array<i32>} : memref<64xf32, #tpu.memory_space<vmem>>, vector<16xf32>,
    %get3A_240 = arith.constant 32 : index
    %get3A_241 = tpu.vector_load %arg5[%get3A_240] {strides = array<i32>} : memref<1024xf32, #tpu.memory_space<vmem>>, vector<16xf32>,
    %get3A_242 = arith.constant 96 : index
    %get3A_243 = tpu.vector_load %arg5[%get3A_242] {strides = array<i32>} : memref<1024xf32, #tpu.memory_space<vmem>>, vector<16xf32>,
    %add3A_244 = arith.addf %get3A_241, %get3A_243 : vector<16xf32>
    %get3A_245 = arith.constant 160 : index
    %get3A_246 = tpu.vector_load %arg5[%get3A_245] {strides = array<i32>} : memref<1024xf32, #tpu.memory_space<vmem>>, vector<16xf32>,
    %add3A_247 = arith.addf %add3A_244, %get3A_246 : vector<16xf32>
    %get3A_248 = arith.constant 224 : index
    %get3A_249 = tpu.vector_load %arg5[%get3A_248] {strides = array<i32>} : memref<1024xf32, #tpu.memory_space<vmem>>, vector<16xf32>,
    %add3A_250 = arith.addf %add3A_247, %get3A_249 : vector<16xf32>
    %get3A_251 = arith.constant 288 : index
    %get3A_252 = tpu.vector_load %arg5[%get3A_251] {strides = array<i32>} : memref<1024xf32, #tpu.memory_space<vmem>>, vector<16xf32>,
    %add3A_253 = arith.addf %add3A_250, %get3A_252 : vector<16xf32>
    %get3A_254 = arith.constant 352 : index
    %get3A_255 = tpu.vector_load %arg5[%get3A_254] {strides = array<i32>} : memref<1024xf32, #tpu.memory_space<vmem>>, vector<16xf32>,
    %add3A_256 = arith.addf %add3A_253, %get3A_255 : vector<16xf32>
    %get3A_257 = arith.constant 416 : index
    %get3A_258 = tpu.vector_load %arg5[%get3A_257] {strides = array<i32>} : memref<1024xf32, #tpu.memory_space<vmem>>, vector<16xf32>,
    %add3A_259 = arith.addf %add3A_256, %get3A_258 : vector<16xf32>
    %get3A_260 = arith.constant 480 : index
    %get3A_261 = tpu.vector_load %arg5[%get3A_260] {strides = array<i32>} : memref<1024xf32, #tpu.memory_space<vmem>>, vector<16xf32>,
    %add3A_262 = arith.addf %add3A_259, %get3A_261 : vector<16xf32>
    %get3A_263 = arith.constant 544 : index
    %get3A_264 = tpu.vector_load %arg5[%get3A_263] {strides = array<i32>} : memref<1024xf32, #tpu.memory_space<vmem>>, vector<16xf32>,
    %add3A_265 = arith.addf %add3A_262, %get3A_264 : vector<16xf32>
    %get3A_266 = arith.constant 608 : index
    %get3A_267 = tpu.vector_load %arg5[%get3A_266] {strides = array<i32>} : memref<1024xf32, #tpu.memory_space<vmem>>, vector<16xf32>,
    %add3A_268 = arith.addf %add3A_265, %get3A_267 : vector<16xf32>
    %get3A_269 = arith.constant 672 : index
    %get3A_270 = tpu.vector_load %arg5[%get3A_269] {strides = array<i32>} : memref<1024xf32, #tpu.memory_space<vmem>>, vector<16xf32>,
    %add3A_271 = arith.addf %add3A_268, %get3A_270 : vector<16xf32>
    %get3A_272 = arith.constant 736 : index
    %get3A_273 = tpu.vector_load %arg5[%get3A_272] {strides = array<i32>} : memref<1024xf32, #tpu.memory_space<vmem>>, vector<16xf32>,
    %add3A_274 = arith.addf %add3A_271, %get3A_273 : vector<16xf32>
    %get3A_275 = arith.constant 800 : index
    %get3A_276 = tpu.vector_load %arg5[%get3A_275] {strides = array<i32>} : memref<1024xf32, #tpu.memory_space<vmem>>, vector<16xf32>,
    %add3A_277 = arith.addf %add3A_274, %get3A_276 : vector<16xf32>
    %get3A_278 = arith.constant 864 : index
    %get3A_279 = tpu.vector_load %arg5[%get3A_278] {strides = array<i32>} : memref<1024xf32, #tpu.memory_space<vmem>>, vector<16xf32>,
    %add3A_280 = arith.addf %add3A_277, %get3A_279 : vector<16xf32>
    %get3A_281 = arith.constant 928 : index
    %get3A_282 = tpu.vector_load %arg5[%get3A_281] {strides = array<i32>} : memref<1024xf32, #tpu.memory_space<vmem>>, vector<16xf32>,
    %add3A_283 = arith.addf %add3A_280, %get3A_282 : vector<16xf32>
    %get3A_284 = arith.constant 992 : index
    %get3A_285 = tpu.vector_load %arg5[%get3A_284] {strides = array<i32>} : memref<1024xf32, #tpu.memory_space<vmem>>, vector<16xf32>,
    %add3A_286 = arith.addf %add3A_283, %get3A_285 : vector<16xf32>
    %swap3A_287 = arith.constant 32 : index
    %swap3A_288 = tpu.vector_load %arg6[%swap3A_287] {strides = array<i32>} : memref<64xf32, #tpu.memory_space<vmem>>, vector<16xf32>,
    tpu.vector_store %arg6[%swap3A_287], %add3A_286 {strides = array<i32>} : memref<64xf32, #tpu.memory_space<vmem>>, vector<16xf32>,
    %get3A_289 = arith.constant 48 : index
    %get3A_290 = tpu.vector_load %arg5[%get3A_289] {strides = array<i32>} : memref<1024xf32, #tpu.memory_space<vmem>>, vector<16xf32>,
    %get3A_291 = arith.constant 112 : index
    %get3A_292 = tpu.vector_load %arg5[%get3A_291] {strides = array<i32>} : memref<1024xf32, #tpu.memory_space<vmem>>, vector<16xf32>,
    %add3A_293 = arith.addf %get3A_290, %get3A_292 : vector<16xf32>
    %get3A_294 = arith.constant 176 : index
    %get3A_295 = tpu.vector_load %arg5[%get3A_294] {strides = array<i32>} : memref<1024xf32, #tpu.memory_space<vmem>>, vector<16xf32>,
    %add3A_296 = arith.addf %add3A_293, %get3A_295 : vector<16xf32>
    %get3A_297 = arith.constant 240 : index
    %get3A_298 = tpu.vector_load %arg5[%get3A_297] {strides = array<i32>} : memref<1024xf32, #tpu.memory_space<vmem>>, vector<16xf32>,
    %add3A_299 = arith.addf %add3A_296, %get3A_298 : vector<16xf32>
    %get3A_300 = arith.constant 304 : index
    %get3A_301 = tpu.vector_load %arg5[%get3A_300] {strides = array<i32>} : memref<1024xf32, #tpu.memory_space<vmem>>, vector<16xf32>,
    %add3A_302 = arith.addf %add3A_299, %get3A_301 : vector<16xf32>
    %get3A_303 = arith.constant 368 : index
    %get3A_304 = tpu.vector_load %arg5[%get3A_303] {strides = array<i32>} : memref<1024xf32, #tpu.memory_space<vmem>>, vector<16xf32>,
    %add3A_305 = arith.addf %add3A_302, %get3A_304 : vector<16xf32>
    %get3A_306 = arith.constant 432 : index
    %get3A_307 = tpu.vector_load %arg5[%get3A_306] {strides = array<i32>} : memref<1024xf32, #tpu.memory_space<vmem>>, vector<16xf32>,
    %add3A_308 = arith.addf %add3A_305, %get3A_307 : vector<16xf32>
    %get3A_309 = arith.constant 496 : index
    %get3A_310 = tpu.vector_load %arg5[%get3A_309] {strides = array<i32>} : memref<1024xf32, #tpu.memory_space<vmem>>, vector<16xf32>,
    %add3A_311 = arith.addf %add3A_308, %get3A_310 : vector<16xf32>
    %get3A_312 = arith.constant 560 : index
    %get3A_313 = tpu.vector_load %arg5[%get3A_312] {strides = array<i32>} : memref<1024xf32, #tpu.memory_space<vmem>>, vector<16xf32>,
    %add3A_314 = arith.addf %add3A_311, %get3A_313 : vector<16xf32>
    %get3A_315 = arith.constant 624 : index
    %get3A_316 = tpu.vector_load %arg5[%get3A_315] {strides = array<i32>} : memref<1024xf32, #tpu.memory_space<vmem>>, vector<16xf32>,
    %add3A_317 = arith.addf %add3A_314, %get3A_316 : vector<16xf32>
    %get3A_318 = arith.constant 688 : index
    %get3A_319 = tpu.vector_load %arg5[%get3A_318] {strides = array<i32>} : memref<1024xf32, #tpu.memory_space<vmem>>, vector<16xf32>,
    %add3A_320 = arith.addf %add3A_317, %get3A_319 : vector<16xf32>
    %get3A_321 = arith.constant 752 : index
    %get3A_322 = tpu.vector_load %arg5[%get3A_321] {strides = array<i32>} : memref<1024xf32, #tpu.memory_space<vmem>>, vector<16xf32>,
    %add3A_323 = arith.addf %add3A_320, %get3A_322 : vector<16xf32>
    %get3A_324 = arith.constant 816 : index
    %get3A_325 = tpu.vector_load %arg5[%get3A_324] {strides = array<i32>} : memref<1024xf32, #tpu.memory_space<vmem>>, vector<16xf32>,
    %add3A_326 = arith.addf %add3A_323, %get3A_325 : vector<16xf32>
    %get3A_327 = arith.constant 880 : index
    %get3A_328 = tpu.vector_load %arg5[%get3A_327] {strides = array<i32>} : memref<1024xf32, #tpu.memory_space<vmem>>, vector<16xf32>,
    %add3A_329 = arith.addf %add3A_326, %get3A_328 : vector<16xf32>
    %get3A_330 = arith.constant 944 : index
    %get3A_331 = tpu.vector_load %arg5[%get3A_330] {strides = array<i32>} : memref<1024xf32, #tpu.memory_space<vmem>>, vector<16xf32>,
    %add3A_332 = arith.addf %add3A_329, %get3A_331 : vector<16xf32>
    %get3A_333 = arith.constant 1008 : index
    %get3A_334 = tpu.vector_load %arg5[%get3A_333] {strides = array<i32>} : memref<1024xf32, #tpu.memory_space<vmem>>, vector<16xf32>,
    %add3A_335 = arith.addf %add3A_332, %get3A_334 : vector<16xf32>
    %swap3A_336 = arith.constant 48 : index
    %swap3A_337 = tpu.vector_load %arg6[%swap3A_336] {strides = array<i32>} : memref<64xf32, #tpu.memory_space<vmem>>, vector<16xf32>,
    tpu.vector_store %arg6[%swap3A_336], %add3A_335 {strides = array<i32>} : memref<64xf32, #tpu.memory_space<vmem>>, vector<16xf32>,
    "tpu.region"() ({
      %run_scoped3A = tpu.sem_alloc : memref<!tpu.dma_semaphore, #tpu.memory_space<semaphore_mem>>
      %dma_start3A = arith.constant 0 : i32
      %dma_start3A_338 = tpu.memref_slice %arg3[%add3A, %dma_start3A] : memref<32x64xf32, #tpu.memory_space<hbm>> -> memref<1x64xf32, #tpu.memory_space<hbm>>
      %dma_start3A_339 = tpu.memref_squeeze %dma_start3A_338 : memref<1x64xf32, #tpu.memory_space<hbm>> -> memref<64xf32, #tpu.memory_space<hbm>>
      %dma_start3A_340 = arith.constant 0 : i32
      %dma_start3A_341 = tpu.memref_slice %arg3[%add3A, %dma_start3A_340] : memref<32x64xf32, #tpu.memory_space<hbm>> -> memref<1x64xf32, #tpu.memory_space<hbm>>
      %dma_start3A_342 = tpu.memref_squeeze %dma_start3A_341 : memref<1x64xf32, #tpu.memory_space<hbm>> -> memref<64xf32, #tpu.memory_space<hbm>>
      tpu.enqueue_dma source(%arg6 : memref<64xf32, #tpu.memory_space<vmem>>) target(%dma_start3A_342 : memref<64xf32, #tpu.memory_space<hbm>>) target_semaphore(%run_scoped3A : memref<!tpu.dma_semaphore, #tpu.memory_space<semaphore_mem>>)
      %dma_wait3A = arith.constant 0 : i32
      %dma_wait3A_343 = tpu.memref_slice %arg3[%add3A, %dma_wait3A] : memref<32x64xf32, #tpu.memory_space<hbm>> -> memref<1x64xf32, #tpu.memory_space<hbm>>
      %dma_wait3A_344 = tpu.memref_squeeze %dma_wait3A_343 : memref<1x64xf32, #tpu.memory_space<hbm>> -> memref<64xf32, #tpu.memory_space<hbm>>
      %dma_wait3A_345 = arith.constant 0 : i32
      %dma_wait3A_346 = tpu.memref_slice %arg3[%add3A, %dma_wait3A_345] : memref<32x64xf32, #tpu.memory_space<hbm>> -> memref<1x64xf32, #tpu.memory_space<hbm>>
      %dma_wait3A_347 = tpu.memref_squeeze %dma_wait3A_346 : memref<1x64xf32, #tpu.memory_space<hbm>> -> memref<64xf32, #tpu.memory_space<hbm>>
      tpu.wait_dma2 semaphore(%run_scoped3A : memref<!tpu.dma_semaphore, #tpu.memory_space<semaphore_mem>>) src(%arg6 : memref<64xf32, #tpu.memory_space<vmem>>) dst(%dma_wait3A_347 : memref<64xf32, #tpu.memory_space<hbm>>)
      tpu.yield
    }) : () -> ()
    return
  }
}

module attributes {stable_mosaic.version = 14 : i64} {
  func.func @_argmax_body(%arg0: i32, %arg1: memref<64x8192xf32, #tpu.memory_space<vmem>>, %arg2: memref<8192xi32, #tpu.memory_space<vmem>>) attributes {dimension_semantics = [#tpu.dimension_semantics<arbitrary>], iteration_bounds = array<i64: 123>, scalar_prefetch = 0 : i64, scratch_operands = 0 : i64, tpu.core_type = #tpu.core_type<tc>, window_params = [{transform_indices = @transform_0, window_bounds = array<i64: 64, 8192>}, {transform_indices = @transform_1, window_bounds = array<i64: 8192>}]} {
    %get3A = arith.constant 0 : index
    %get3A_0 = arith.constant 0 : index
    %get3A_1 = vector.load %arg1[%get3A, %get3A_0] : memref<64x8192xf32, #tpu.memory_space<vmem>>, vector<64x8192xf32>
    %reduce_max3A = arith.constant dense<0xFF800000> : vector<8192xf32>
    %reduce_max3A_2 = vector.multi_reduction <maximumf>, %get3A_1, %reduce_max3A [0] : vector<64x8192xf32> to vector<8192xf32>
    %broadcast_in_dim3A = vector.shape_cast %reduce_max3A_2 : vector<8192xf32> to vector<1x8192xf32>
    %iota3A = tpu.iota {dimensions = array<i32: 0>} : vector<64x8192xi32>
    %eq3A = vector.broadcast %broadcast_in_dim3A : vector<1x8192xf32> to vector<64x8192xf32>
    %eq3A_3 = arith.cmpf oeq, %get3A_1, %eq3A : vector<64x8192xf32>
    %jit3A = arith.constant 64 : i32
    %broadcast_in_dim3A_4 = vector.broadcast %jit3A : i32 to vector<64x8192xi32>
    %select_n3A = arith.select %eq3A_3, %iota3A, %broadcast_in_dim3A_4 : vector<64x8192xi1>, vector<64x8192xi32>
    %reduce_min3A = arith.constant dense<2147483647> : vector<8192xi32>
    %reduce_min3A_5 = vector.multi_reduction <minsi>, %select_n3A, %reduce_min3A [0] : vector<64x8192xi32> to vector<8192xi32>
    %swap3A = arith.constant 0 : index
    %swap3A_6 = vector.load %arg2[%swap3A] : memref<8192xi32, #tpu.memory_space<vmem>>, vector<8192xi32>
    tpu.vector_store %arg2[%swap3A], %reduce_min3A_5 {strides = array<i32>} : memref<8192xi32, #tpu.memory_space<vmem>>, vector<8192xi32>,
    return
  }
  func.func @transform_0(%arg0: i32) -> (i32, i32) {
    %c0_i32 = arith.constant 0 : i32
    %c0_i32_0 = arith.constant 0 : i32
    return %c0_i32, %arg0 : i32, i32
  }
  func.func @transform_1(%arg0: i32) -> i32 {
    %c0_i32 = arith.constant 0 : i32
    return %arg0 : i32
  }
}

module attributes {stable_mosaic.version = 14 : i64} {
  func.func @_finish_body(%arg0: memref<32x64xf32, #tpu.memory_space<vmem>>, %arg1: memref<1x64xf32, #tpu.memory_space<vmem>>) attributes {dimension_semantics = [], scalar_prefetch = 0 : i64, scratch_operands = 0 : i64, tpu.core_type = #tpu.core_type<tc>} {
    %get3A = arith.constant 0 : index
    %get3A_0 = arith.constant 0 : index
    %get3A_1 = vector.load %arg0[%get3A, %get3A_0] : memref<32x64xf32, #tpu.memory_space<vmem>>, vector<32x64xf32>
    %reduce_sum3A = arith.constant dense<0.000000e+00> : vector<64xf32>
    %reduce_sum3A_2 = vector.multi_reduction <add>, %get3A_1, %reduce_sum3A [0] : vector<32x64xf32> to vector<64xf32>
    %broadcast_in_dim3A = vector.shape_cast %reduce_sum3A_2 : vector<64xf32> to vector<1x64xf32>
    %mul3A = arith.constant 9.99999997E-7 : f32
    %mul3A_3 = vector.broadcast %mul3A : f32 to vector<1x64xf32>
    %mul3A_4 = arith.mulf %broadcast_in_dim3A, %mul3A_3 : vector<1x64xf32>
    %swap3A = arith.constant 0 : index
    %swap3A_5 = arith.constant 0 : index
    %swap3A_6 = vector.load %arg1[%swap3A, %swap3A_5] : memref<1x64xf32, #tpu.memory_space<vmem>>, vector<1x64xf32>
    tpu.vector_store %arg1[%swap3A, %swap3A_5], %mul3A_4 {strides = array<i32>} : memref<1x64xf32, #tpu.memory_space<vmem>>, vector<1x64xf32>,
    return
  }
}

</mosaic_0001>

<sc_bundles>
// kernel: kernel.5.cloned.1.call-start
scs
__scs_entry_jumppad:
0x0: {  	(pc) =	sbr.rel $0x88, $3  }
0x1: {  	(tag) =	ssettag $0x0;
	lr =	simm.s32 $0x1  }
0x2: {  	[smem:$0x3FA0] =	sst lr;
	_ =	strace $0xD0000000  }
0x3: {  	_ = 	snop  }
0x4: {  	_ = 	snop  }
0x5: {  	_ = 	snop  }
0x6: {  	_ = 	snop  }
0x7: {  	_ = 	snop  }
__scs_overlays_trampoline_lowered:
0x8: {  	[smem:$0x3FAF] =	sst s0  }
0x9: {  	[smem:$0x3FB0] =	sst s1  }
0xa: {  	[smem:$0x3FB1] =	sst s2  }
0xb: {  	[smem:$0x3FB2] =	sst s3  }
0xc: {  	[smem:$0x3FB3] =	sst s4  }
0xd: {  	[smem:$0x3FB4] =	sst s5  }
0xe: {  	[smem:$0x3FB5] =	sst s6  }
0xf: {  	[smem:$0x3FB6] =	sst s7  }
0x10: {  	[smem:$0x3FB7] =	sst s8  }
0x11: {  	[smem:$0x3FB8] =	sst s9;
	s0 =	simm.s32 @!p0 $0x0  }
0x12: {  	s1 =	sld [smem:$0x3F9E];
	s0 =	simm.s32 @p0 $0x1  }
0x13: {  	[smem:$0x3FB9] =	sst s0;
	s0 =	simm.s32 @!p1 $0x0  }
0x14: {  	s2 =	sld [smem:$0x3F9D];
	s0 =	simm.s32 @p1 $0x1  }
0x15: {  	[smem:$0x3FBA] =	sst s0;
	s0 =	simm.s32 @!p2 $0x0  }
0x16: {  	s3 =	sld [smem:$0x3FDB];
	s0 =	simm.s32 @p2 $0x1  }
0x17: {  	s4 =	simm.s32 $0x1BF5;
	[smem:$0x3FBC] =	sst s0  }
0x18: {  	s0 =	sld [smem:$0x3F9F];
	_ =	swait.ge [sflag:s4], $0x0  }
0x19: {  	s7 =	sld [smem:$0x3FA0]  }
0x1a: {  	s8 =	sadd.s32 $0xFFFFE003, lr  }
0x1b: {  	s9 =	sadd.s32 $0xFFFFFEF7, lr;
	s5 =	simm.s32 $0xFFFFFFFF;
	p2 =	slt.u32 s8, $0xFFFFF086  }
0x1c: {  	p1 =	slt.u32 s9, $0xF7A;
	s5 =	simm.s32 @!p2 $0x0  }
0x1d: {  	s5 =	simm.s32 @p1 $0x1;
	p0 =	seq.s32 s7, s2  }
0x1e: {  	s7 =	smul.u32 @!p0 $0xF7A, s2;
	p2 =	seq.s32 @!p0 s5, $0x0  }
0x1f: {  	s9 =	smul.u32 $0xF7A, s1;
	s8 =	simm.s32 @!p0 $0x1BF5;
	p2 =	por !p2, p0  }
0x20: {  	[sflag:s8] =	ssyncset.s32 @!p0 $0xFFFFF086;
	s6 =	sadd.s32 @!p0 s3, s7;
	s7 =	simm.s32 @!p0 $0x108  }
0x21: {  	s3 =	sadd.s32 s3, s9;
	s6 =	sadd.s32 @!p0 $0x88, s6;
	s7 =	simm.s32 @p2 $0x1082  }
0x22: {  	[simem:s7], [sflag:s8] =	dma.local @!p0 [hbm:s6], $0xF7A  }
0x23: {  	s9 =	sor.u32 $0xD0000000, s2;
	s6 =	simm.s32 $0x108;
	_ =	swait.ge @!p0 [sflag:s8], $0x0  }
0x24: {  	s3 =	sadd.s32 $0x88, s3;
	s6 =	simm.s32 @!p1 $0x1082;
	[sflag:s4] =	ssyncset.s32 $0xFFFFF086  }
0x25: {  	[simem:s6], [sflag:s4] =	dma.local [hbm:s3], $0xF7A  }
0x26: {  	[smem:$0x3FA0] =	sst s1;
	(tag) =	ssettag s2;
	_ =	strace s9  }
0x27: {  	s1 =	sld [smem:$0x3FB0]  }
0x28: {  	s2 =	sld [smem:$0x3FB1]  }
0x29: {  	s4 =	sld [smem:$0x3FB3]  }
0x2a: {  	p0 =	seq.s32 s5, $0x0;
	s5 =	sld [smem:$0x3FB4]  }
0x2b: {  	s6 =	sld [smem:$0x3FB5]  }
0x2c: {  	s7 =	sld [smem:$0x3FB6]  }
0x2d: {  	s3 =	simm.s32 $0x108;
	s8 =	sld [smem:$0x3FB7]  }
0x2e: {  	s3 =	simm.s32 @!p0 $0x1082;
	s9 =	sld [smem:$0x3FB8]  }
0x2f: {  	lr =	sadd.s32 s0, s3;
	s0 =	sld [smem:$0x3FAF]  }
0x30: {  	s3 =	sld [smem:$0x3FB2]  }
0x31: {  	[smem:$0x3FBB] =	sst s10  }
0x32: {  	s10 =	sld [smem:$0x3FB9];
	_ =	sdelay $0x3  }
0x33: {  	p0 =	seq.s32 s10, $0x1;
	s10 =	sld [smem:$0x3FBB];
	_ =	sdelay $0x3  }
0x34: {  	[smem:$0x3FBB] =	sst s10  }
0x35: {  	s10 =	sld [smem:$0x3FBA];
	_ =	sdelay $0x3  }
0x36: {  	p1 =	seq.s32 s10, $0x1;
	s10 =	sld [smem:$0x3FBB];
	_ =	sdelay $0x3  }
0x37: {  	[smem:$0x3FBB] =	sst s10  }
0x38: {  	s10 =	sld [smem:$0x3FBC]  }
0x39: {  	_ = 	snop;
	(pc) =	sbr.ind lr, $3  }
0x3a: {  	_ = 	snop  }
0x3b: {  	_ = 	snop  }
0x3c: {  	p2 =	seq.s32 s10, $0x1;
	s10 =	sld [smem:$0x3FBB]  }
0x3d: {  	_ =	shalt  }
0x3e: {  	_ =	shalt  }
0x3f: {  	_ =	shalt  }
0x40: {  	_ =	shalt  }
0x41: {  	_ =	shalt  }
0x42: {  	_ =	shalt  }
0x43: {  	_ =	shalt  }
0x44: {  	_ =	shalt  }
0x45: {  	_ =	shalt  }
0x46: {  	_ =	shalt  }
0x47: {  	_ =	shalt  }
0x48: {  	_ =	shalt  }
0x49: {  	_ =	shalt  }
0x4a: {  	_ =	shalt  }
0x4b: {  	_ =	shalt  }
0x4c: {  	_ =	shalt  }
0x4d: {  	_ =	shalt  }
0x4e: {  	_ =	shalt  }
0x4f: {  	_ =	shalt  }
0x50: {  	_ =	shalt  }
0x51: {  	_ =	shalt  }
0x52: {  	_ =	shalt  }
0x53: {  	_ =	shalt  }
0x54: {  	_ =	shalt  }
0x55: {  	_ =	shalt  }
0x56: {  	_ =	shalt  }
0x57: {  	_ =	shalt  }
0x58: {  	_ =	shalt  }
0x59: {  	_ =	shalt  }
0x5a: {  	_ =	shalt  }
0x5b: {  	_ =	shalt  }
0x5c: {  	_ =	shalt  }
0x5d: {  	_ =	shalt  }
0x5e: {  	_ =	shalt  }
0x5f: {  	_ =	shalt  }
0x60: {  	_ =	shalt  }
0x61: {  	_ =	shalt  }
0x62: {  	_ =	shalt  }
0x63: {  	_ =	shalt  }
0x64: {  	_ =	shalt  }
0x65: {  	_ =	shalt  }
0x66: {  	_ =	shalt  }
0x67: {  	_ =	shalt  }
0x68: {  	_ =	shalt  }
0x69: {  	_ =	shalt  }
0x6a: {  	_ =	shalt  }
0x6b: {  	_ =	shalt  }
0x6c: {  	_ =	shalt  }
0x6d: {  	_ =	shalt  }
0x6e: {  	_ =	shalt  }
0x6f: {  	_ =	shalt  }
0x70: {  	_ =	shalt  }
0x71: {  	_ =	shalt  }
0x72: {  	_ =	shalt  }
0x73: {  	_ =	shalt  }
0x74: {  	_ =	shalt  }
0x75: {  	_ =	shalt  }
0x76: {  	_ =	shalt  }
0x77: {  	_ =	shalt  }
0x78: {  	_ =	shalt  }
0x79: {  	_ =	shalt  }
0x7a: {  	_ =	shalt  }
0x7b: {  	_ =	shalt  }
0x7c: {  	_ =	shalt  }
0x7d: {  	_ =	shalt  }
0x7e: {  	_ =	shalt  }
0x7f: {  	_ =	shalt  }
0x80: {  	_ =	shalt  }
0x81: {  	_ =	shalt  }
0x82: {  	_ =	shalt  }
0x83: {  	_ =	shalt  }
0x84: {  	_ =	shalt  }
0x85: {  	_ =	shalt  }
0x86: {  	_ =	shalt  }
0x87: {  	_ =	shalt  }
.Lfunc_end0:
.L_simem_size_0:
called_computation_lowered:
.L_overlay_start_0:
0x88: {  	s2 =	sld [smem:$0x3FD9]  }
0x89: {  	s3 =	sld [smem:$0x3FFE];
	_ =	sdelay $0x1  }
0x8a: {  	s1 =	srdreg.scid  }
0x8b: {  	s0 =	sand.u32 $0x1, s1  }
0x8c: {  	s16 =	sshll.u32 s0, $0xA;
	s2 =	sadd.s32 s3, s2  }
0x8d: {  	s2 =	sadd.s32 s2, s16  }
0x8e: {  	[smem:$0x3FC7] =	sst s2  }
0x8f: {  	_ = 	snop  }
0x90: {  	(tm) =	ssettm $0x1  }
0x91: {  	s17 =	sld [smem:$0x3FFB];
	_ =	sdelay $0x3  }
0x92: {  	_ =	strace s17  }
0x93: {  	s2 =	sld [smem:$0x3FFC];
	_ =	sdelay $0x3  }
0x94: {  	_ =	strace s2  }
0x95: {  	s2 =	sld [smem:$0x3FFD];
	_ =	sdelay $0x3  }
0x96: {  	_ =	strace s2  }
0x97: {  	_ =	strace $0x8FFFFFFF  }
0x98: {  	s18 =	sld [smem:$0x3FDB];
	_ =	sdelay $0x1  }
0x99: {  	s19 =	simm.s32 $_scs_section_size  }
0x9a: {  	s4 =	simm.s32 $_size__tile_overlayer_lowered;
	s5 =	simm.s32 $_tile_overlayer_lowered  }
0x9b: {  	s22 =	simm.s32 $0x1BFF;
	s21 =	sshll.u32 s5, $0x1;
	s2 =	sadd.s32 s19, s18  }
0x9c: {  	s6 =	simm.s32 $0x0;
	s20 =	sshll.u32 s4, $0x1;
	s4 =	sadd.s32 s21, s2  }
0x9d: {  	[timem:s6], [sflag:s22] =	dma.local [hbm:s4], s20  }
0x9e: {  	_ =	swait.ge [sflag:s22], s20  }
0x9f: {  	s3 =	ssub.s32 $0x0, s20;
	[sflag:s22] =	ssyncset.done $0x0  }
0xa0: {  	[sflag:s22] =	ssyncadd.s32 s3;
	_ =	sdelay $0x1  }
0xa1: {  	s23 =	simm.s32 $0x1B8B  }
0xa2: {  	_ =	swait.ge [sflag:s23], $0x1  }
0xa3: {  	[sflag:s23] =	ssyncset.done $0x0  }
0xa4: {  	s25 =	simm.s32 $0x1B8E;
	s24 =	sld [smem:$0x3FFE];
	[sflag:s23] =	ssyncadd.s32 $0xFFFFFFFF  }
0xa5: {  	s26 =	simm.s32 $execute0_lowered;
	[smem:$0x3FD2] =	sst s25  }
0xa6: {  	s4 =	sshll.u32 s26, $0x1;
	_ =	strace $0x80000046;
	[dreg:$0x1] =	wrdreg $0xFFFFFFFF  }
0xa7: {  	s28 =	simm.s32 $_size_execute0_lowered;
	s2 =	sadd.s32 s2, s4;
	[dreg:$0x0] =	wrdreg $0x0  }
0xa8: {  	s4 =	sshll.u32 s28, $0x1;
	[dreg:$0x2] =	wrdreg s2  }
0xa9: {  	[dreg:$0x3] =	wrdreg s4  }
0xaa: {  	[dreg:$0x4] =	wrdreg $0xC0  }
0xab: {  	_ =	task [dreg:s6], $0x5FFFF  }
0xac: {  	[dreg:$0x1] =	wrdreg $0xFFFFFFFF  }
0xad: {  	[dreg:$0x0] =	wrdreg $0x60  }
0xae: {  	[dreg:$0x2] =	wrdreg s24  }
0xaf: {  	[dreg:$0x3] =	wrdreg $0x9  }
0xb0: {  	_ =	task.clear_ibuf [dreg:s6], $0x4FFFF;
	_ =	strace $0x90000046  }
0xb1: {  	s29 =	simm.s32 $0x9;
	_ =	strace $0x80000048  }
0xb2: {  	_ =	swait.ge [sflag:s29], $0x1  }
0xb3: {  	[sflag:s29] =	ssyncadd.s32 $0xFFFFFFFF  }
0xb4: {  	_ =	strace $0x90000048  }
0xb5: {  	_ =	sfence  }
0xb6: {  	s30 =	sld [smem:$0x0];
	_ =	sdelay $0x2  }
0xb7: {  	s31 =	sshll.u32 s1, $0xD;
	s1 =	sshrl.u32 s1, $0x2  }
0xb8: {  	s3 =	sand.u32 $0x4000, s31;
	s1 =	sadd.s32 s1, s30  }
0xb9: {  	s0 =	sor.u32 s3, s0;
	s1 =	sshll.u32 s1, $0x11  }
0xba: {  	s0 =	sor.u32 s1, s0  }
0xbb: {  	s0 =	sadd.s32 $0x8F2B, s0  }
0xbc: {  	[sflag:s0] =	ssyncadd.remote.s32 $0x1  }
0xbd: {  	_ =	sfence.sel $0xFFFF  }
0xbe: {  	[dreg:$0x0] =	wrdreg $0xFFFFFFFF;
	(pc) =	sbr.abs _section_cstart, $3  }
0xbf: {  	[dreg:$0x1] =	wrdreg $0xFFFFFFFF  }
0xc0: {  	_ =	task.clear_ibuf [dreg:s6], $0x2FFFF;
	_ =	strace $0x9FFFFFFF  }
0xc1: {  	(tm) =	ssettm $0x7FFFFFFF  }
tec
execute0_lowered:
.L_overlay_start_1:
0x0: {  	(tag) =	ssettag $0x1  }
0x1: {  	s1 =	srdreg.scid  }
0x2: {  	s0 =	stileid.u32;
	s3 =	rddreg [dreg:$0x0]  }
0x3: {  	s2 =	simm.s32 $0x0;
	s4 =	sand.u32 $0x1, s1;
	s1 =	rddreg [dreg:$0x1]  }
0x4: {  	s9 =	simm.s32 $0x0;
	s5 =	sshll.u32 s0, $0x1;
	[smem:$0x7FF] =	sst s2  }
0x5: {  	s5 =	sor.u32 s4, s5;
	_ =	strace $0x80000047;
	s31 =	ssub.s32 $0x2, s4  }
0x6: {  	v2 =	vlaneseq.u32;
	s6 =	smul.u32 $0xF42, s5;
	s7 =	sshll.u32 s5, $0x4;
	s4 =	sshrl.u32 s31, $0x1  }
0x7: {  	v0 =	vmul.u32 $0xFFFFFFFF, v2;
	p0 =	seq.s32 s5, $0x1F;
	s5 =	simm.s32 $0x7A50;
	s7 =	sadd.s32 s7, s3  }
0x8: {  	s8 =	ssub.s32 s31, s4;
	s5 =	simm.s32 @!p0 $0x7A10;
	s6 =	sadd.s32 s6, s3  }
0x9: {  	v0 =	vadd.s32 s5, v0;
	s4 =	sadd.s32 $0x1F200, s7;
	s5 =	smax.u32 s8, $0x1;
	s7 =	simm.s32 $0x7A80  }
0xa: {  	v1 =	vimm.f32 $0.0e+00;
	v3 =	vimm.f32 $1.000000000e+00;
	v2 =	vmul.u32 $0x40, v2;
	s8 =	simm.s32 $0x7E80;
	s3 =	sadd.s32 $0x800, s6;
	s6 =	simm.s32 $0x1  }
.LBB2_1:
0xb: {  	[tilespmem:s2], [sflag:$0x1] =	stream.linear.gather [hbm4b:s3+s2], $0x7A50, $0x38;
	[tilespmem:$0x7F00] =	vst v63  }
0xc: {  	_ =	swait.ge [sflag:s6], $0x7A50  }
0xd: {  	[sflag:s6] =	ssyncset.done $0x0  }
0xe: {  	[sflag:s6] =	ssyncadd.s32 $0xFFFF85B0  }
0xf: {  	[tilespmem:$0x7A80] =	vst v1  }
0x10: {  	[tilespmem:$0x7A90] =	vst v1  }
0x11: {  	[tilespmem:$0x7AA0] =	vst v1  }
0x12: {  	[tilespmem:$0x7AB0] =	vst v1  }
0x13: {  	[tilespmem:$0x7AC0] =	vst v1  }
0x14: {  	[tilespmem:$0x7AD0] =	vst v1  }
0x15: {  	[tilespmem:$0x7AE0] =	vst v1  }
0x16: {  	[tilespmem:$0x7AF0] =	vst v1  }
0x17: {  	[tilespmem:$0x7B00] =	vst v1  }
0x18: {  	[tilespmem:$0x7B10] =	vst v1  }
0x19: {  	[tilespmem:$0x7B20] =	vst v1  }
0x1a: {  	[tilespmem:$0x7B30] =	vst v1  }
0x1b: {  	[tilespmem:$0x7B40] =	vst v1  }
0x1c: {  	[tilespmem:$0x7B50] =	vst v1  }
0x1d: {  	[tilespmem:$0x7B60] =	vst v1  }
0x1e: {  	[tilespmem:$0x7B70] =	vst v1  }
0x1f: {  	[tilespmem:$0x7B80] =	vst v1  }
0x20: {  	[tilespmem:$0x7B90] =	vst v1  }
0x21: {  	[tilespmem:$0x7BA0] =	vst v1  }
0x22: {  	[tilespmem:$0x7BB0] =	vst v1  }
0x23: {  	[tilespmem:$0x7BC0] =	vst v1  }
0x24: {  	[tilespmem:$0x7BD0] =	vst v1  }
0x25: {  	[tilespmem:$0x7BE0] =	vst v1  }
0x26: {  	[tilespmem:$0x7BF0] =	vst v1  }
0x27: {  	[tilespmem:$0x7C00] =	vst v1  }
0x28: {  	[tilespmem:$0x7C10] =	vst v1  }
0x29: {  	[tilespmem:$0x7C20] =	vst v1  }
0x2a: {  	[tilespmem:$0x7C30] =	vst v1  }
0x2b: {  	[tilespmem:$0x7C40] =	vst v1  }
0x2c: {  	[tilespmem:$0x7C50] =	vst v1  }
0x2d: {  	[tilespmem:$0x7C60] =	vst v1  }
0x2e: {  	[tilespmem:$0x7C70] =	vst v1  }
0x2f: {  	[tilespmem:$0x7C80] =	vst v1  }
0x30: {  	[tilespmem:$0x7C90] =	vst v1  }
0x31: {  	[tilespmem:$0x7CA0] =	vst v1  }
0x32: {  	[tilespmem:$0x7CB0] =	vst v1  }
0x33: {  	[tilespmem:$0x7CC0] =	vst v1  }
0x34: {  	[tilespmem:$0x7CD0] =	vst v1  }
0x35: {  	[tilespmem:$0x7CE0] =	vst v1  }
0x36: {  	[tilespmem:$0x7CF0] =	vst v1  }
0x37: {  	[tilespmem:$0x7D00] =	vst v1  }
0x38: {  	[tilespmem:$0x7D10] =	vst v1  }
0x39: {  	[tilespmem:$0x7D20] =	vst v1  }
0x3a: {  	[tilespmem:$0x7D30] =	vst v1  }
0x3b: {  	[tilespmem:$0x7D40] =	vst v1  }
0x3c: {  	[tilespmem:$0x7D50] =	vst v1  }
0x3d: {  	[tilespmem:$0x7D60] =	vst v1  }
0x3e: {  	[tilespmem:$0x7D70] =	vst v1  }
0x3f: {  	[tilespmem:$0x7D80] =	vst v1  }
0x40: {  	[tilespmem:$0x7D90] =	vst v1  }
0x41: {  	[tilespmem:$0x7DA0] =	vst v1  }
0x42: {  	[tilespmem:$0x7DB0] =	vst v1  }
0x43: {  	[tilespmem:$0x7DC0] =	vst v1  }
0x44: {  	[tilespmem:$0x7DD0] =	vst v1  }
0x45: {  	[tilespmem:$0x7DE0] =	vst v1  }
0x46: {  	[tilespmem:$0x7DF0] =	vst v1  }
0x47: {  	[tilespmem:$0x7E00] =	vst v1  }
0x48: {  	[tilespmem:$0x7E10] =	vst v1  }
0x49: {  	[tilespmem:$0x7E20] =	vst v1  }
0x4a: {  	[tilespmem:$0x7E30] =	vst v1  }
0x4b: {  	[tilespmem:$0x7E40] =	vst v1  }
0x4c: {  	[tilespmem:$0x7E50] =	vst v1  }
0x4d: {  	[tilespmem:$0x7E60] =	vst v1  }
0x4e: {  	[tilespmem:$0x7E70] =	vst v1  }
0x4f: {  	s10 =	simm.s32 $0x10;
	s11 =	simm.s32 $0x0;
	s12 =	simm.s32 $0x0;
	v4 =	vld [tilespmem:s2+$0x0]  }
.LBB2_2:
0x50: {  	p0 =	sne.s32 s10, $0x7A40;
	_ =	sdelay $0x1  }
0x51: {  	v5 =	vmov s11;
	s11 =	smov.u32 s10  }
0x52: {  	vm0 =	vlt.u32 v5, v0  }
0x53: {  	v4 =	vadd.s32 v2, v4;
	_ =	sdelay $0x1  }
.Ltmp0:
0x54: {  	(pc) =	sbr.rel @p0 .LBB2_2-.Ltmp0, $3  }
0x55: {  	_ =	sdelay $0x1  }
0x56: {  	s12 =	sadd.s32 $0x10, s12;
	[tilespmem:v4+s7+$0x0] =	vst.idx.add.f32.msk vm0, v3  }
0x57: {  	s10 =	sadd.s32 $0x10, s10;
	v4 =	vld [tilespmem:s12+$0x0]  }
0x58: {  	_ =	sdelay $0x1  }
0x59: {  	v5 =	vmov s11  }
0x5a: {  	vm0 =	vlt.u32 v5, v0  }
0x5b: {  	v4 =	vadd.s32 v2, v4;
	_ =	sdelay $0x4  }
0x5c: {  	[tilespmem:v4+s7+$0x0] =	vst.idx.add.f32.msk vm0, v3  }
0x5d: {  	v4 =	vld [tilespmem:$0x7A80]  }
0x5e: {  	v5 =	vld [tilespmem:$0x7AC0]  }
0x5f: {  	v6 =	vld [tilespmem:$0x7B00]  }
0x60: {  	v7 =	vld [tilespmem:$0x7B40]  }
0x61: {  	v8 =	vld [tilespmem:$0x7B80]  }
0x62: {  	v9 =	vld [tilespmem:$0x7BC0]  }
0x63: {  	v10 =	vld [tilespmem:$0x7C00]  }
0x64: {  	v11 =	vld [tilespmem:$0x7C40]  }
0x65: {  	v12 =	vld [tilespmem:$0x7C80]  }
0x66: {  	v13 =	vld [tilespmem:$0x7CC0]  }
0x67: {  	v14 =	vld [tilespmem:$0x7D00]  }
0x68: {  	v15 =	vld [tilespmem:$0x7D40]  }
0x69: {  	v16 =	vld [tilespmem:$0x7D80]  }
0x6a: {  	v17 =	vld [tilespmem:$0x7DC0]  }
0x6b: {  	v18 =	vld [tilespmem:$0x7E00]  }
0x6c: {  	v19 =	vld [tilespmem:$0x7E40]  }
0x6d: {  	v20 =	vld [tilespmem:$0x7A90]  }
0x6e: {  	v21 =	vld [tilespmem:$0x7AD0]  }
0x6f: {  	v22 =	vld [tilespmem:$0x7B10]  }
0x70: {  	v23 =	vld [tilespmem:$0x7B50]  }
0x71: {  	v24 =	vld [tilespmem:$0x7B90]  }
0x72: {  	v25 =	vld [tilespmem:$0x7BD0]  }
0x73: {  	v26 =	vld [tilespmem:$0x7C10]  }
0x74: {  	v27 =	vld [tilespmem:$0x7C50]  }
0x75: {  	v28 =	vld [tilespmem:$0x7C90]  }
0x76: {  	v29 =	vld [tilespmem:$0x7CD0]  }
0x77: {  	v30 =	vld [tilespmem:$0x7D10]  }
0x78: {  	v31 =	vld [tilespmem:$0x7D50]  }
0x79: {  	v32 =	vld [tilespmem:$0x7D90]  }
0x7a: {  	v33 =	vld [tilespmem:$0x7DD0]  }
0x7b: {  	v34 =	vld [tilespmem:$0x7E10]  }
0x7c: {  	v35 =	vld [tilespmem:$0x7E50]  }
0x7d: {  	v36 =	vld [tilespmem:$0x7AA0]  }
0x7e: {  	v37 =	vld [tilespmem:$0x7AE0]  }
0x7f: {  	v38 =	vld [tilespmem:$0x7AB0]  }
0x80: {  	v39 =	vld [tilespmem:$0x7AF0]  }
0x81: {  	v40 =	vld [tilespmem:$0x7B20]  }
0x82: {  	v4 =	vadd.f32 v5, v4;
	v5 =	vld [tilespmem:$0x7B30]  }
0x83: {  	v59 =	vld [tilespmem:$0x7B60];
	v20 =	vadd.f32 v21, v20  }
0x84: {  	v61 =	vld [tilespmem:$0x7B70];
	v60 =	vadd.f32 v37, v36;
	v4 =	vadd.f32 v6, v4  }
0x85: {  	v63 =	vld [tilespmem:$0x7BA0];
	v62 =	vadd.f32 v39, v38;
	v20 =	vadd.f32 v22, v20  }
0x86: {  	v39 =	vld [tilespmem:$0x7BB0];
	v6 =	vadd.f32 v40, v60;
	v4 =	vadd.f32 v7, v4  }
0x87: {  	v40 =	vld [tilespmem:$0x7BE0];
	v20 =	vadd.f32 v23, v20;
	v5 =	vadd.f32 v5, v62  }
0x88: {  	v41 =	vld [tilespmem:$0x7BF0];
	v6 =	vadd.f32 v59, v6;
	v4 =	vadd.f32 v8, v4  }
0x89: {  	v42 =	vld [tilespmem:$0x7C20];
	v20 =	vadd.f32 v24, v20;
	v5 =	vadd.f32 v61, v5  }
0x8a: {  	v43 =	vld [tilespmem:$0x7C30];
	v6 =	vadd.f32 v63, v6;
	v4 =	vadd.f32 v9, v4  }
0x8b: {  	v44 =	vld [tilespmem:$0x7C60];
	v20 =	vadd.f32 v25, v20;
	v5 =	vadd.f32 v39, v5  }
0x8c: {  	v45 =	vld [tilespmem:$0x7C70];
	v6 =	vadd.f32 v40, v6;
	v4 =	vadd.f32 v10, v4  }
0x8d: {  	v46 =	vld [tilespmem:$0x7CA0];
	v20 =	vadd.f32 v26, v20;
	v5 =	vadd.f32 v41, v5  }
0x8e: {  	v47 =	vld [tilespmem:$0x7CB0];
	v6 =	vadd.f32 v42, v6;
	v4 =	vadd.f32 v11, v4  }
0x8f: {  	v48 =	vld [tilespmem:$0x7CE0];
	v20 =	vadd.f32 v27, v20;
	v5 =	vadd.f32 v43, v5  }
0x90: {  	v49 =	vld [tilespmem:$0x7CF0];
	v6 =	vadd.f32 v44, v6;
	v4 =	vadd.f32 v12, v4  }
0x91: {  	v51 =	vld [tilespmem:$0x7D20];
	v50 =	vadd.f32 v28, v20;
	v5 =	vadd.f32 v45, v5  }
0x92: {  	v52 =	vld [tilespmem:$0x7D30];
	v6 =	vadd.f32 v46, v6;
	v4 =	vadd.f32 v13, v4  }
0x93: {  	v53 =	vld [tilespmem:$0x7D60];
	v12 =	vadd.f32 v29, v50;
	v5 =	vadd.f32 v47, v5  }
0x94: {  	v54 =	vld [tilespmem:$0x7D70];
	v6 =	vadd.f32 v48, v6;
	v4 =	vadd.f32 v14, v4  }
0x95: {  	v55 =	vld [tilespmem:$0x7DA0];
	v12 =	vadd.f32 v30, v12;
	v5 =	vadd.f32 v49, v5  }
0x96: {  	v56 =	vld [tilespmem:$0x7DB0];
	v6 =	vadd.f32 v51, v6;
	v4 =	vadd.f32 v15, v4  }
0x97: {  	v57 =	vld [tilespmem:$0x7DE0];
	v12 =	vadd.f32 v31, v12;
	v5 =	vadd.f32 v52, v5  }
0x98: {  	v58 =	vld [tilespmem:$0x7DF0];
	v6 =	vadd.f32 v53, v6;
	v4 =	vadd.f32 v16, v4  }
0x99: {  	v59 =	vld [tilespmem:$0x7E20];
	v12 =	vadd.f32 v32, v12;
	v5 =	vadd.f32 v54, v5  }
0x9a: {  	v60 =	vld [tilespmem:$0x7E30];
	v6 =	vadd.f32 v55, v6;
	v4 =	vadd.f32 v17, v4  }
0x9b: {  	v61 =	vld [tilespmem:$0x7E60];
	v12 =	vadd.f32 v33, v12;
	v5 =	vadd.f32 v56, v5  }
0x9c: {  	v62 =	vld [tilespmem:$0x7E70];
	v6 =	vadd.f32 v57, v6;
	v4 =	vadd.f32 v18, v4  }
0x9d: {  	v12 =	vadd.f32 v34, v12;
	v5 =	vadd.f32 v58, v5  }
0x9e: {  	v6 =	vadd.f32 v59, v6;
	v4 =	vadd.f32 v19, v4  }
0x9f: {  	v63 =	vadd.f32 v35, v12;
	v5 =	vadd.f32 v60, v5  }
0xa0: {  	[tilespmem:$0x7E80] =	vst v4;
	v4 =	vadd.f32 v61, v6  }
0xa1: {  	s9 =	sadd.s32 $0x1, s9;
	[tilespmem:$0x7E90] =	vst v63;
	v5 =	vadd.f32 v62, v5  }
0xa2: {  	p0 =	sne.s32 s9, s5;
	[tilespmem:$0x7EA0] =	vst v4  }
.Ltmp1:
0xa3: {  	[tilespmem:$0x7EB0] =	vst v5;
	(pc) =	sbr.rel @p0 .LBB2_1-.Ltmp1, $4  }
0xa4: {  	[hbm4b:s4+s2] =	stream.linear.scatter [tilespmem:s8], [sflag:$0x1], $0x80, $0x38;
	[tilespmem:$0x7F00] =	vst v63  }
0xa5: {  	_ =	swait.ge [sflag:s6], $0x80  }
0xa6: {  	[sflag:s6] =	ssyncset.done $0x0  }
0xa7: {  	[sflag:s6] =	ssyncadd.s32 $0xFFFFFF80  }
0xa8: {  	_ =	sfence.sel $0x180000  }
0xa9: {  	[bflag:$0x0] =	sbarrier.arrive $0xFFFF  }
0xaa: {  	p0 =	sne.s32 s0, $0x0;
	_ =	strace $0x90000047  }
0xab: {  	s0 =	sadd.s32 @!p0 $0x100000, s1;
	[bflag:$0x2] =	sbarrier.arrive $0xFFFF  }
0xac: {  	[sflag:s0] =	ssyncadd.tile.s32 @!p0 $0x1;
	_ =	shalt  }
.Lfunc_end2:
_tile_overlayer_lowered:
.L_overlay_start_2:
0xad: {  	(tag) =	ssettag $0x2  }
0xae: {  	s0 =	rddreg [dreg:$0x0];
	s2 =	stileid.u32  }
0xaf: {  	s1 =	rddreg [dreg:$0x1];
	p0 =	sne.s32 s2, $0x0  }
0xb0: {  	s3 =	rddreg [dreg:$0x2];
	[bflag:$0x3] =	sbarrier.arrive $0xFFFF;
	s2 =	simm.s32 @!p0 $0x1C01  }
0xb1: {  	[timem:s3], [sflag:s2] =	dma.local @!p0 [hbm:s0], s1  }
0xb2: {  	s0 =	simm.s32 @!p0 $0x1  }
0xb3: {  	_ =	swait.ge @!p0 [sflag:s0], s1  }
0xb4: {  	s1 =	ssub.s32 @!p0 $0x0, s1;
	[sflag:s0] =	ssyncset.done @!p0 $0x0  }
0xb5: {  	[sflag:s0] =	ssyncadd.s32 @!p0 s1  }
0xb6: {  	[bflag:$0x3] =	sbarrier.arrive $0xFFFF  }
0xb7: {  	_ =	shalt  }

</sc_bundles>
